<compile_context>
chip_gen: v7x
topology: tpu7x:2x2x1
jax: 0.10.2.dev20260603
libtpu: 0.0.44.dev20260713+nightly
codegen_flags: <defaults>
</compile_context>

<pallas_src>
import functools
import math

import jax
import jax.numpy as jnp
from jax import lax
from jax.experimental import pallas as pl
from jax.experimental.pallas import tpu as pltpu
from jax.experimental.pallas import tpu_sc as plsc

D = 768
NHEAD = 12
DH = 64
HID = 2048
E = 16
TOPK = 2
T = 2048
NCLS = 16
CAP = 320
TRASH = E * CAP
DISP_ROWS = E * CAP + 512
SQRT_D = math.sqrt(float(D))
NW = 32
BQ = 512
HC = 1024


def _bdot(a, b, dims):
    return lax.dot_general(a.astype(jnp.bfloat16), b.astype(jnp.bfloat16),
                           dims, preferred_element_type=jnp.float32)


def _sc_mesh():
    return plsc.VectorSubcoreMesh(core_axis_name="c", subcore_axis_name="s")


def _sc_gather(table, idx):
    n = idx.shape[0]
    d = table.shape[1]
    bpw = n // NW

    @functools.partial(
        pl.kernel,
        out_type=jax.ShapeDtypeStruct((n, d), table.dtype),
        mesh=_sc_mesh(),
        scratch_types=[
            pltpu.VMEM((bpw,), jnp.int32),
            pltpu.VMEM((bpw, d), table.dtype),
            pltpu.SemaphoreType.DMA,
        ],
    )
    def k(table_hbm, idx_hbm, out_hbm, idx_v, rows_v, sem):
        wid = lax.axis_index("s") * 2 + lax.axis_index("c")
        base = wid * bpw
        pltpu.sync_copy(idx_hbm.at[pl.ds(base, bpw)], idx_v)
        pltpu.async_copy(table_hbm.at[idx_v], rows_v, sem).wait()
        pltpu.sync_copy(rows_v, out_hbm.at[pl.ds(base, bpw)])

    return k(table, idx)


def _sc_dispatch(x1, dd0, dd1):
    tpw = T // NW

    @functools.partial(
        pl.kernel,
        out_type=jax.ShapeDtypeStruct((DISP_ROWS, D), jnp.float32),
        mesh=_sc_mesh(),
        scratch_types=[
            pltpu.VMEM((tpw,), jnp.int32),
            pltpu.VMEM((tpw,), jnp.int32),
            pltpu.VMEM((tpw, D), jnp.float32),
            pltpu.SemaphoreType.DMA,
            pltpu.SemaphoreType.DMA,
        ],
    )
    def k(x_hbm, dd0_hbm, dd1_hbm, disp_hbm, i0_v, i1_v, rows_v, s0, s1):
        wid = lax.axis_index("s") * 2 + lax.axis_index("c")
        base = wid * tpw
        pltpu.sync_copy(x_hbm.at[pl.ds(base, tpw)], rows_v)
        pltpu.sync_copy(dd0_hbm.at[pl.ds(base, tpw)], i0_v)
        pltpu.sync_copy(dd1_hbm.at[pl.ds(base, tpw)], i1_v)
        c0 = pltpu.async_copy(rows_v, disp_hbm.at[i0_v], s0)
        c1 = pltpu.async_copy(rows_v, disp_hbm.at[i1_v], s1)
        c0.wait()
        c1.wait()

    return k(x1, dd0, dd1)


def _sc_combine(y, g0i, g1i):
    tpw = T // NW

    @functools.partial(
        pl.kernel,
        out_type=(
            jax.ShapeDtypeStruct((T, D), jnp.float32),
            jax.ShapeDtypeStruct((T, D), jnp.float32),
        ),
        mesh=_sc_mesh(),
        scratch_types=[
            pltpu.VMEM((tpw,), jnp.int32),
            pltpu.VMEM((tpw,), jnp.int32),
            pltpu.VMEM((tpw, D), jnp.float32),
            pltpu.VMEM((tpw, D), jnp.float32),
            pltpu.SemaphoreType.DMA,
            pltpu.SemaphoreType.DMA,
        ],
    )
    def k(y_hbm, i0_hbm, i1_hbm, g0_hbm, g1_hbm, i0_v, i1_v, r0_v, r1_v,
          s0, s1):
        wid = lax.axis_index("s") * 2 + lax.axis_index("c")
        base = wid * tpw
        pltpu.sync_copy(i0_hbm.at[pl.ds(base, tpw)], i0_v)
        pltpu.sync_copy(i1_hbm.at[pl.ds(base, tpw)], i1_v)
        c0 = pltpu.async_copy(y_hbm.at[i0_v], r0_v, s0)
        c1 = pltpu.async_copy(y_hbm.at[i1_v], r1_v, s1)
        c0.wait()
        c1.wait()
        pltpu.sync_copy(r0_v, g0_hbm.at[pl.ds(base, tpw)])
        pltpu.sync_copy(r1_v, g1_hbm.at[pl.ds(base, tpw)])

    return k(y, g0i, g1i)


def _encoder_kernel(rows, in_proj_w, in_proj_b, out_proj_w, out_proj_b,
                    ln1_w, ln1_b, gate_w, gate_b):
    scale = 1.0 / math.sqrt(DH)
    nq = T // BQ

    def body(r_ref, w_ref, b_ref, wo_ref, bo_ref, lw_ref, lb_ref, gw_ref,
             gb_ref, x1_ref, gl_ref, dd0_ref, dd1_ref, g0_ref, g1_ref, w_out,
             kv_scr, gl_scr):
        step = pl.program_id(0)
        pe0 = (lax.broadcasted_iota(jnp.int32, (1, D), 1) % 2).astype(jnp.float32)

        @pl.when(step == 0)
        def _():
            x0 = r_ref[...] * SQRT_D + pe0
            wk = lax.slice(w_ref[...], (D, 0), (2 * D, D))
            wv = lax.slice(w_ref[...], (2 * D, 0), (3 * D, D))
            kv_scr[0] = (_bdot(x0, wk, (((1,), (1,)), ((), ())))
                         + b_ref[1]).astype(jnp.bfloat16)
            kv_scr[1] = (_bdot(x0, wv, (((1,), (1,)), ((), ())))
                         + b_ref[2]).astype(jnp.bfloat16)

        @pl.when(step > 0)
        def _():
            qb = step - 1
            x0b = r_ref[pl.ds(qb * BQ, BQ), :] * SQRT_D + pe0
            wq = lax.slice(w_ref[...], (0, 0), (D, D))
            q = _bdot(x0b, wq, (((1,), (1,)), ((), ()))) + b_ref[0]
            outs = []
            for h in range(NHEAD):
                qh = lax.slice(q, (0, h * DH), (BQ, (h + 1) * DH))
                kh = kv_scr[0, :, pl.ds(h * DH, DH)]
                vh = kv_scr[1, :, pl.ds(h * DH, DH)]
                s = _bdot(qh, kh, (((1,), (1,)), ((), ()))) * scale
                p = jnp.exp(s)
                r = jnp.sum(p, axis=1, keepdims=True)
                outs.append(_bdot(p, vh, (((1,), (0,)), ((), ()))) / r)
            attn = jnp.concatenate(outs, axis=1)
            a = _bdot(attn, wo_ref[...], (((1,), (1,)), ((), ())))
            hh = x0b + a + bo_ref[...]
            mu = jnp.mean(hh, axis=1, keepdims=True)
            var = jnp.mean((hh - mu) ** 2, axis=1, keepdims=True)
            x1 = (hh - mu) * lax.rsqrt(var + 1e-5) * lw_ref[...] + lb_ref[...]
            x1_ref[...] = x1
            glb = jnp.dot(x1, gw_ref[...]) + gb_ref[...]
            gl_ref[...] = glb
            gl_scr[pl.ds(qb * BQ, BQ), :] = glb

        @pl.when(step == nq)
        def _():
            g = gl_scr[...]
            lane = lax.broadcasted_iota(jnp.int32, (T, E), 1)
            v0 = jnp.max(g, axis=1, keepdims=True)
            e0 = jnp.min(jnp.where(g == v0, lane, E), axis=1, keepdims=True)
            oh0 = lane == e0
            gm = jnp.where(oh0, -1e30, g)
            v1 = jnp.max(gm, axis=1, keepdims=True)
            e1 = jnp.min(jnp.where(gm == v1, lane, E), axis=1, keepdims=True)
            oh1 = lane == e1
            p1 = 1.0 / (1.0 + jnp.exp(v0 - v1))
            p0 = 1.0 - p1
            cnt = oh0.astype(jnp.int32) + oh1.astype(jnp.int32)
            c = cnt
            sh = 1
            while sh < T:
                c = c + jnp.concatenate(
                    [jnp.zeros((sh, E), jnp.int32),
                     lax.slice(c, (0, 0), (T - sh, E))], axis=0)
                sh *= 2
            s_exc = c - cnt
            pos0 = jnp.sum(jnp.where(oh0, s_exc, 0), axis=1, keepdims=True)
            pos1 = jnp.sum(jnp.where(oh1, s_exc, 0), axis=1, keepdims=True)
            keep0 = pos0 < CAP
            keep1 = pos1 < CAP
            dest0 = e0 * CAP + pos0
            dest1 = e1 * CAP + pos1
            tok = lax.broadcasted_iota(jnp.int32, (T, 1), 0)
            dd0 = jnp.where(keep0, dest0, TRASH + (tok & 255))
            dd1 = jnp.where(keep1, dest1, TRASH + 256 + (tok & 255))
            fb = lax.slice(dest0, (0, 0), (1, 1))
            gi0 = jnp.where(keep0, dest0, fb)
            gi1 = jnp.where(keep1, dest1, fb)
            dd0_ref[...] = jnp.reshape(dd0, (T,))
            dd1_ref[...] = jnp.reshape(dd1, (T,))
            g0_ref[...] = jnp.reshape(gi0, (T,))
            g1_ref[...] = jnp.reshape(gi1, (T,))
            w0 = jnp.where(keep0, p0, 0.0)
            w1 = jnp.where(keep1, p1, 0.0)
            w_out[...] = jnp.concatenate([w0, w1, w0, w0, w0, w0, w0, w0],
                                         axis=1)

    return pl.pallas_call(
        body,
        grid=(nq + 1,),
        in_specs=[
            pl.BlockSpec((T, D), lambda s: (0, 0)),
            pl.BlockSpec((3 * D, D), lambda s: (0, 0)),
            pl.BlockSpec((3, 1, D), lambda s: (0, 0, 0)),
            pl.BlockSpec((D, D), lambda s: (0, 0)),
            pl.BlockSpec((D,), lambda s: (0,)),
            pl.BlockSpec((D,), lambda s: (0,)),
            pl.BlockSpec((D,), lambda s: (0,)),
            pl.BlockSpec((D, E), lambda s: (0, 0)),
            pl.BlockSpec((E,), lambda s: (0,)),
        ],
        out_specs=[
            pl.BlockSpec((BQ, D), lambda s: (jnp.maximum(s - 1, 0), 0)),
            pl.BlockSpec((BQ, E), lambda s: (jnp.maximum(s - 1, 0), 0)),
            pl.BlockSpec((T,), lambda s: (0,)),
            pl.BlockSpec((T,), lambda s: (0,)),
            pl.BlockSpec((T,), lambda s: (0,)),
            pl.BlockSpec((T,), lambda s: (0,)),
            pl.BlockSpec((T, 8), lambda s: (0, 0)),
        ],
        out_shape=[
            jax.ShapeDtypeStruct((T, D), jnp.float32),
            jax.ShapeDtypeStruct((T, E), jnp.float32),
            jax.ShapeDtypeStruct((T,), jnp.int32),
            jax.ShapeDtypeStruct((T,), jnp.int32),
            jax.ShapeDtypeStruct((T,), jnp.int32),
            jax.ShapeDtypeStruct((T,), jnp.int32),
            jax.ShapeDtypeStruct((T, 8), jnp.float32),
        ],
        scratch_shapes=[
            pltpu.VMEM((2, T, D), jnp.bfloat16),
            pltpu.VMEM((T, E), jnp.float32),
        ],
    )(rows, in_proj_w, in_proj_b.reshape(3, 1, D), out_proj_w, out_proj_b,
      ln1_w, ln1_b, gate_w, gate_b)


def _ffn_kernel(disp, w1, b1, w2, b2):
    nh = HID // HC

    def body(x_ref, w1_ref, b1_ref, w2_ref, b2_ref, y_ref, acc_ref):
        hc = pl.program_id(1)
        h = jnp.maximum(
            _bdot(x_ref[...], w1_ref[...][0], (((1,), (0,)), ((), ()))) + b1_ref[0],
            0.0,
        )
        part = _bdot(h, w2_ref[...][0], (((1,), (0,)), ((), ())))
        if nh == 1:
            y_ref[...] = part + b2_ref[0]
        else:
            @pl.when(hc == 0)
            def _():
                acc_ref[...] = part

            @pl.when(hc > 0)
            def _():
                acc_ref[...] += part

            @pl.when(hc == nh - 1)
            def _():
                y_ref[...] = acc_ref[...] + b2_ref[0]

    return pl.pallas_call(
        body,
        grid=(E, nh),
        in_specs=[
            pl.BlockSpec((CAP, D), lambda e, hc: (e, 0)),
            pl.BlockSpec((1, D, HC), lambda e, hc: (e, 0, hc)),
            pl.BlockSpec((1, 1, HC), lambda e, hc: (e, 0, hc)),
            pl.BlockSpec((1, HC, D), lambda e, hc: (e, hc, 0)),
            pl.BlockSpec((1, 1, D), lambda e, hc: (e, 0, 0)),
        ],
        out_specs=pl.BlockSpec((CAP, D), lambda e, hc: (e, 0)),
        out_shape=jax.ShapeDtypeStruct((E * CAP, D), jnp.float32),
        scratch_shapes=[pltpu.VMEM((CAP, D), jnp.float32)],
    )(disp, w1, b1.reshape(E, 1, HID), w2, b2.reshape(E, 1, D))


def _final_kernel(x1, g0, g1, ws, ln2_w, ln2_b, cls_w, cls_b):

    def body(x1_ref, g0_ref, g1_ref, ws_ref, lw_ref, lb_ref, cw_ref, cb_ref,
             out_ref):
        w0 = ws_ref[:, 0:1]
        w1c = ws_ref[:, 1:2]
        h = x1_ref[...] + w0 * g0_ref[...] + w1c * g1_ref[...]
        mu = jnp.mean(h, axis=1, keepdims=True)
        var = jnp.mean((h - mu) ** 2, axis=1, keepdims=True)
        x2 = (h - mu) * lax.rsqrt(var + 1e-5) * lw_ref[...] + lb_ref[...]
        pooled = jnp.mean(x2, axis=0, keepdims=True)
        out_ref[...] = jnp.dot(pooled, cw_ref[...]) + cb_ref[...]

    return pl.pallas_call(
        body,
        out_shape=jax.ShapeDtypeStruct((1, NCLS), jnp.float32),
    )(x1, g0, g1, ws, ln2_w, ln2_b, cls_w, cls_b)


def kernel(src, emb, in_proj_w, in_proj_b, out_proj_w, out_proj_b, ln1_w, ln1_b,
           gate_w, gate_b, w1, b1, w2, b2, ln2_w, ln2_b, cls_w, cls_b):
    srcf = src.reshape(T).astype(jnp.int32)
    rows = _sc_gather(emb, srcf)
    (x1, gl, dd0, dd1, g0i, g1i, ws) = _encoder_kernel(
        rows, in_proj_w, in_proj_b, out_proj_w, out_proj_b, ln1_w, ln1_b,
        gate_w, gate_b)
    disp = _sc_dispatch(x1, dd0, dd1)
    y = _ffn_kernel(disp, w1, b1, w2, b2)
    g0, g1 = _sc_combine(y, g0i, g1i)
    logits = _final_kernel(x1, g0, g1, ws, ln2_w, ln2_b, cls_w, cls_b)
    return (logits, gl.reshape(1, T, E))

# --- scband reference (transcript-rebuilt; emitter-appended) ---
"""Pipeline reference for scband-mo-etransformer-classifier-76433237999751 (READ-ONLY COPY).

The authoritative reference and input builder live on the scoring server;
editing this copy changes nothing except your own understanding.
"""

import math
import jax
import jax.numpy as jnp
import numpy as np

D_MODEL = 768
NHEAD = 12
D_HIDDEN = 2048
NUM_EXPERTS = 16
TOP_K = 2
NUM_CLASSES = 16
VOCAB = 100000
BATCH = 1
SEQ = 2048
MAX_LEN = 5000


def _pos_encoding(d_model, max_len=MAX_LEN):
    position = np.arange(max_len, dtype=np.float32)[:, None]
    div_term = np.exp(np.arange(0, d_model, 2).astype(np.float32) * (-math.log(10000.0) / d_model))
    pe = np.zeros((max_len, d_model), dtype=np.float32)
    pe[:, 0::2] = np.sin(position * div_term)
    pe[:, 1::2] = np.cos(position * div_term)
    return jnp.asarray(pe[:, None, :])  # [max_len, 1, d_model], matches torch buffer


def _layer_norm(x, w, b, eps=1e-5):
    mu = x.mean(axis=-1, keepdims=True)
    var = ((x - mu) ** 2).mean(axis=-1, keepdims=True)
    return (x - mu) / jnp.sqrt(var + eps) * w + b


def _mha(x, in_proj_w, in_proj_b, out_proj_w, out_proj_b, nhead):
    B, S, D = x.shape
    dh = D // nhead
    qkv = x @ in_proj_w.T + in_proj_b
    q, k, v = jnp.split(qkv, 3, axis=-1)
    def rs(t):
        return t.reshape(B, S, nhead, dh).transpose(0, 2, 1, 3)
    q, k, v = rs(q), rs(k), rs(v)
    att = jax.nn.softmax(q @ k.transpose(0, 1, 3, 2) / math.sqrt(dh), axis=-1)
    o = (att @ v).transpose(0, 2, 1, 3).reshape(B, S, D)
    return o @ out_proj_w.T + out_proj_b


def _moe(x, gate_w, gate_b, w1, b1, w2, b2, top_k):
    B, S, D = x.shape
    T = B * S
    E = gate_w.shape[1]
    xf = x.reshape(T, D)
    logits = xf @ gate_w + gate_b  # [T, E] gating logits
    topv, topi = jax.lax.top_k(logits, top_k)
    probs = jax.nn.softmax(topv, axis=-1)
    ei = topi.reshape(-1)                      # [T*k] expert assignment per slot
    ti = jnp.repeat(jnp.arange(T), top_k)      # [T*k] source token per slot
    wf = probs.reshape(-1)
    C = int(math.ceil(T * top_k / E * 1.25))   # expert capacity
    oh = jax.nn.one_hot(ei, E, dtype=jnp.int32)
    pos = jnp.sum(jnp.cumsum(oh, axis=0) * oh, axis=1) - 1
    keep = (pos < C).astype(xf.dtype)
    pos_c = jnp.clip(pos, 0, C - 1)
    # dispatch (scatter-add into per-expert capacity buffers)
    disp = jnp.zeros((E, C, D), xf.dtype).at[ei, pos_c].add(xf[ti] * keep[:, None])
    h = jax.nn.relu(jnp.einsum('ecd,edh->ech', disp, w1) + b1[:, None, :])
    y = jnp.einsum('ech,ehd->ecd', h, w2) + b2[:, None, :]
    # combine (gather + weighted scatter-add back to tokens)
    out = jnp.zeros((T, D), xf.dtype).at[ti].add(y[ei, pos_c] * (wf * keep)[:, None])
    return out.reshape(B, S, D), logits.reshape(B, S, E)


def setup_inputs(seed: int = 0):
    key = jax.random.key(seed)
    ks = [jax.random.fold_in(key, i) for i in range(12)]
    s = 0.02
    return {
        'src': jax.random.randint(ks[0], (BATCH, SEQ), 0, VOCAB),
        'emb': jax.random.normal(ks[1], (VOCAB, D_MODEL), jnp.float32) * s,
        'in_proj_w': jax.random.normal(ks[2], (3 * D_MODEL, D_MODEL), jnp.float32) * s,
        'in_proj_b': jnp.zeros((3 * D_MODEL,), jnp.float32),
        'out_proj_w': jax.random.normal(ks[3], (D_MODEL, D_MODEL), jnp.float32) * s,
        'out_proj_b': jnp.zeros((D_MODEL,), jnp.float32),
        'ln1_w': jnp.ones((D_MODEL,), jnp.float32),
        'ln1_b': jnp.zeros((D_MODEL,), jnp.float32),
        'gate_w': jax.random.normal(ks[4], (D_MODEL, NUM_EXPERTS), jnp.float32) * s,
        'gate_b': jnp.zeros((NUM_EXPERTS,), jnp.float32),
        'w1': jax.random.normal(ks[5], (NUM_EXPERTS, D_MODEL, D_HIDDEN), jnp.float32) * s,
        'b1': jnp.zeros((NUM_EXPERTS, D_HIDDEN), jnp.float32),
        'w2': jax.random.normal(ks[6], (NUM_EXPERTS, D_HIDDEN, D_MODEL), jnp.float32) * s,
        'b2': jnp.zeros((NUM_EXPERTS, D_MODEL), jnp.float32),
        'ln2_w': jnp.ones((D_MODEL,), jnp.float32),
        'ln2_b': jnp.zeros((D_MODEL,), jnp.float32),
        'cls_w': jax.random.normal(ks[7], (D_MODEL, NUM_CLASSES), jnp.float32) * s,
        'cls_b': jnp.zeros((NUM_CLASSES,), jnp.float32),
    }


def reference(src, emb, in_proj_w, in_proj_b, out_proj_w, out_proj_b, ln1_w, ln1_b,
              gate_w, gate_b, w1, b1, w2, b2, ln2_w, ln2_b, cls_w, cls_b):
    x = emb[src] * math.sqrt(D_MODEL)           # embedding lookup (gather)
    pe = _pos_encoding(D_MODEL)
    x = x + pe[:x.shape[0]]                     # replicates torch code's pe[:x.size(0)] slice
    attn = _mha(x, in_proj_w, in_proj_b, out_proj_w, out_proj_b, NHEAD)
    x = _layer_norm(x + attn, ln1_w, ln1_b)
    moe_out, gating_logits = _moe(x, gate_w, gate_b, w1, b1, w2, b2, TOP_K)
    x = _layer_norm(x + moe_out, ln2_w, ln2_b)
    pooled = x.mean(axis=1)
    logits = pooled @ cls_w + cls_b
    return (logits, gating_logits)

if __name__ == "__main__":
    import jax
    _d = setup_inputs()
    print(jax.jit(kernel)(*tuple(_d.values())))

</pallas_src>

<mosaic_0001>
#map = affine_map<(d0, d1) -> (0, 0)>
#map1 = affine_map<(d0, d1) -> (0)>
module attributes {stable_mosaic.version = 14 : i64} {
  func.func @k(%arg0: i32, %arg1: i32, %arg2: memref<100000x768xf32, #tpu.memory_space<hbm>>, %arg3: memref<2048xi32, #tpu.memory_space<hbm>>, %arg4: memref<2048x768xf32, #tpu.memory_space<hbm>>, %arg5: memref<64xi32, #tpu.memory_space<vmem>>, %arg6: memref<64x768xf32, #tpu.memory_space<vmem>>, %arg7: memref<!tpu.dma_semaphore, #tpu.memory_space<semaphore_mem>>) attributes {dimension_semantics = [#tpu.dimension_semantics<core_parallel>, #tpu.dimension_semantics<subcore_parallel>], iteration_bounds = array<i64: 2, 16>, scalar_prefetch = 0 : i64, scratch_operands = 3 : i64, tpu.core_type = #tpu.core_type<sc_vector_subcore>, window_params = [{transform_indices = #map}, {transform_indices = #map1}, {transform_indices = #map}]} {
    %mul3A = arith.constant 2 : i32
    %mul3A_0 = arith.muli %arg1, %mul3A : i32
    %add3A = arith.addi %mul3A_0, %arg0 : i32
    %mul3A_1 = arith.constant 64 : i32
    %mul3A_2 = arith.muli %add3A, %mul3A_1 : i32
    "tpu.region"() ({
      %run_scoped3A = tpu.sem_alloc : memref<!tpu.dma_semaphore, #tpu.memory_space<semaphore_mem>>
      %dma_start3A_7 = tpu.memref_slice %arg3[%mul3A_2] : memref<2048xi32, #tpu.memory_space<hbm>> -> memref<64xi32, #tpu.memory_space<hbm>>
      %dma_start3A_8 = tpu.memref_slice %arg3[%mul3A_2] : memref<2048xi32, #tpu.memory_space<hbm>> -> memref<64xi32, #tpu.memory_space<hbm>>
      tpu.enqueue_dma source(%dma_start3A_8 : memref<64xi32, #tpu.memory_space<hbm>>) target(%arg5 : memref<64xi32, #tpu.memory_space<vmem>>) target_semaphore(%run_scoped3A : memref<!tpu.dma_semaphore, #tpu.memory_space<semaphore_mem>>)
      %dma_wait3A_9 = tpu.memref_slice %arg3[%mul3A_2] : memref<2048xi32, #tpu.memory_space<hbm>> -> memref<64xi32, #tpu.memory_space<hbm>>
      %dma_wait3A_10 = tpu.memref_slice %arg3[%mul3A_2] : memref<2048xi32, #tpu.memory_space<hbm>> -> memref<64xi32, #tpu.memory_space<hbm>>
      tpu.wait_dma2 semaphore(%run_scoped3A : memref<!tpu.dma_semaphore, #tpu.memory_space<semaphore_mem>>) src(%dma_wait3A_10 : memref<64xi32, #tpu.memory_space<hbm>>) dst(%arg5 : memref<64xi32, #tpu.memory_space<vmem>>)
      tpu.yield
    }) : () -> ()
    %dma_start3A = arith.constant 0 : i32
    %dma_start3A_3 = arith.constant 0 : i32
    %dma_start3A_4 = tpu.memref_slice %arg2[%dma_start3A, %dma_start3A_3] : memref<100000x768xf32, #tpu.memory_space<hbm>> -> memref<100000x768xf32, #tpu.memory_space<hbm>>
    tpu.enqueue_indirect_dma source(%dma_start3A_4 : memref<100000x768xf32, #tpu.memory_space<hbm>>) target(%arg6 : memref<64x768xf32, #tpu.memory_space<vmem>>) offsets(%arg5 : memref<64xi32, #tpu.memory_space<vmem>>) semaphore(%arg7 : memref<!tpu.dma_semaphore, #tpu.memory_space<semaphore_mem>>)
    %dma_wait3A = arith.constant 0 : i32
    %dma_wait3A_5 = arith.constant 0 : i32
    %dma_wait3A_6 = tpu.memref_slice %arg2[%dma_wait3A, %dma_wait3A_5] : memref<100000x768xf32, #tpu.memory_space<hbm>> -> memref<100000x768xf32, #tpu.memory_space<hbm>>
    tpu.wait_indirect_dma semaphore(%arg7 : memref<!tpu.dma_semaphore, #tpu.memory_space<semaphore_mem>>) src(%dma_wait3A_6 : memref<100000x768xf32, #tpu.memory_space<hbm>>) dst(%arg6 : memref<64x768xf32, #tpu.memory_space<vmem>>)
    "tpu.region"() ({
      %run_scoped3A = tpu.sem_alloc : memref<!tpu.dma_semaphore, #tpu.memory_space<semaphore_mem>>
      %dma_start3A_7 = arith.constant 0 : i32
      %dma_start3A_8 = tpu.memref_slice %arg4[%mul3A_2, %dma_start3A_7] : memref<2048x768xf32, #tpu.memory_space<hbm>> -> memref<64x768xf32, #tpu.memory_space<hbm>>
      %dma_start3A_9 = arith.constant 0 : i32
      %dma_start3A_10 = tpu.memref_slice %arg4[%mul3A_2, %dma_start3A_9] : memref<2048x768xf32, #tpu.memory_space<hbm>> -> memref<64x768xf32, #tpu.memory_space<hbm>>
      tpu.enqueue_dma source(%arg6 : memref<64x768xf32, #tpu.memory_space<vmem>>) target(%dma_start3A_10 : memref<64x768xf32, #tpu.memory_space<hbm>>) target_semaphore(%run_scoped3A : memref<!tpu.dma_semaphore, #tpu.memory_space<semaphore_mem>>)
      %dma_wait3A_11 = arith.constant 0 : i32
      %dma_wait3A_12 = tpu.memref_slice %arg4[%mul3A_2, %dma_wait3A_11] : memref<2048x768xf32, #tpu.memory_space<hbm>> -> memref<64x768xf32, #tpu.memory_space<hbm>>
      %dma_wait3A_13 = arith.constant 0 : i32
      %dma_wait3A_14 = tpu.memref_slice %arg4[%mul3A_2, %dma_wait3A_13] : memref<2048x768xf32, #tpu.memory_space<hbm>> -> memref<64x768xf32, #tpu.memory_space<hbm>>
      tpu.wait_dma2 semaphore(%run_scoped3A : memref<!tpu.dma_semaphore, #tpu.memory_space<semaphore_mem>>) src(%arg6 : memref<64x768xf32, #tpu.memory_space<vmem>>) dst(%dma_wait3A_14 : memref<64x768xf32, #tpu.memory_space<hbm>>)
      tpu.yield
    }) : () -> ()
    return
  }
}

#map = affine_map<(d0, d1) -> (0, 0)>
#map1 = affine_map<(d0, d1) -> (0)>
module attributes {stable_mosaic.version = 14 : i64} {
  func.func @k(%arg0: i32, %arg1: i32, %arg2: memref<5120x768xf32, #tpu.memory_space<hbm>>, %arg3: memref<2048xi32, #tpu.memory_space<hbm>>, %arg4: memref<2048xi32, #tpu.memory_space<hbm>>, %arg5: memref<2048x768xf32, #tpu.memory_space<hbm>>, %arg6: memref<2048x768xf32, #tpu.memory_space<hbm>>, %arg7: memref<64xi32, #tpu.memory_space<vmem>>, %arg8: memref<64xi32, #tpu.memory_space<vmem>>, %arg9: memref<64x768xf32, #tpu.memory_space<vmem>>, %arg10: memref<64x768xf32, #tpu.memory_space<vmem>>, %arg11: memref<!tpu.dma_semaphore, #tpu.memory_space<semaphore_mem>>, %arg12: memref<!tpu.dma_semaphore, #tpu.memory_space<semaphore_mem>>) attributes {dimension_semantics = [#tpu.dimension_semantics<core_parallel>, #tpu.dimension_semantics<subcore_parallel>], iteration_bounds = array<i64: 2, 16>, scalar_prefetch = 0 : i64, scratch_operands = 6 : i64, tpu.core_type = #tpu.core_type<sc_vector_subcore>, window_params = [{transform_indices = #map}, {transform_indices = #map1}, {transform_indices = #map1}, {transform_indices = #map}, {transform_indices = #map}]} {
    %mul3A = arith.constant 2 : i32
    %mul3A_0 = arith.muli %arg1, %mul3A : i32
    %add3A = arith.addi %mul3A_0, %arg0 : i32
    %mul3A_1 = arith.constant 64 : i32
    %mul3A_2 = arith.muli %add3A, %mul3A_1 : i32
    "tpu.region"() ({
      %run_scoped3A = tpu.sem_alloc : memref<!tpu.dma_semaphore, #tpu.memory_space<semaphore_mem>>
      %dma_start3A_13 = tpu.memref_slice %arg3[%mul3A_2] : memref<2048xi32, #tpu.memory_space<hbm>> -> memref<64xi32, #tpu.memory_space<hbm>>
      %dma_start3A_14 = tpu.memref_slice %arg3[%mul3A_2] : memref<2048xi32, #tpu.memory_space<hbm>> -> memref<64xi32, #tpu.memory_space<hbm>>
      tpu.enqueue_dma source(%dma_start3A_14 : memref<64xi32, #tpu.memory_space<hbm>>) target(%arg7 : memref<64xi32, #tpu.memory_space<vmem>>) target_semaphore(%run_scoped3A : memref<!tpu.dma_semaphore, #tpu.memory_space<semaphore_mem>>)
      %dma_wait3A_15 = tpu.memref_slice %arg3[%mul3A_2] : memref<2048xi32, #tpu.memory_space<hbm>> -> memref<64xi32, #tpu.memory_space<hbm>>
      %dma_wait3A_16 = tpu.memref_slice %arg3[%mul3A_2] : memref<2048xi32, #tpu.memory_space<hbm>> -> memref<64xi32, #tpu.memory_space<hbm>>
      tpu.wait_dma2 semaphore(%run_scoped3A : memref<!tpu.dma_semaphore, #tpu.memory_space<semaphore_mem>>) src(%dma_wait3A_16 : memref<64xi32, #tpu.memory_space<hbm>>) dst(%arg7 : memref<64xi32, #tpu.memory_space<vmem>>)
      tpu.yield
    }) : () -> ()
    "tpu.region"() ({
      %run_scoped3A = tpu.sem_alloc : memref<!tpu.dma_semaphore, #tpu.memory_space<semaphore_mem>>
      %dma_start3A_13 = tpu.memref_slice %arg4[%mul3A_2] : memref<2048xi32, #tpu.memory_space<hbm>> -> memref<64xi32, #tpu.memory_space<hbm>>
      %dma_start3A_14 = tpu.memref_slice %arg4[%mul3A_2] : memref<2048xi32, #tpu.memory_space<hbm>> -> memref<64xi32, #tpu.memory_space<hbm>>
      tpu.enqueue_dma source(%dma_start3A_14 : memref<64xi32, #tpu.memory_space<hbm>>) target(%arg8 : memref<64xi32, #tpu.memory_space<vmem>>) target_semaphore(%run_scoped3A : memref<!tpu.dma_semaphore, #tpu.memory_space<semaphore_mem>>)
      %dma_wait3A_15 = tpu.memref_slice %arg4[%mul3A_2] : memref<2048xi32, #tpu.memory_space<hbm>> -> memref<64xi32, #tpu.memory_space<hbm>>
      %dma_wait3A_16 = tpu.memref_slice %arg4[%mul3A_2] : memref<2048xi32, #tpu.memory_space<hbm>> -> memref<64xi32, #tpu.memory_space<hbm>>
      tpu.wait_dma2 semaphore(%run_scoped3A : memref<!tpu.dma_semaphore, #tpu.memory_space<semaphore_mem>>) src(%dma_wait3A_16 : memref<64xi32, #tpu.memory_space<hbm>>) dst(%arg8 : memref<64xi32, #tpu.memory_space<vmem>>)
      tpu.yield
    }) : () -> ()
    %dma_start3A = arith.constant 0 : i32
    %dma_start3A_3 = arith.constant 0 : i32
    %dma_start3A_4 = tpu.memref_slice %arg2[%dma_start3A, %dma_start3A_3] : memref<5120x768xf32, #tpu.memory_space<hbm>> -> memref<5120x768xf32, #tpu.memory_space<hbm>>
    tpu.enqueue_indirect_dma source(%dma_start3A_4 : memref<5120x768xf32, #tpu.memory_space<hbm>>) target(%arg9 : memref<64x768xf32, #tpu.memory_space<vmem>>) offsets(%arg7 : memref<64xi32, #tpu.memory_space<vmem>>) semaphore(%arg11 : memref<!tpu.dma_semaphore, #tpu.memory_space<semaphore_mem>>)
    %dma_start3A_5 = arith.constant 0 : i32
    %dma_start3A_6 = arith.constant 0 : i32
    %dma_start3A_7 = tpu.memref_slice %arg2[%dma_start3A_5, %dma_start3A_6] : memref<5120x768xf32, #tpu.memory_space<hbm>> -> memref<5120x768xf32, #tpu.memory_space<hbm>>
    tpu.enqueue_indirect_dma source(%dma_start3A_7 : memref<5120x768xf32, #tpu.memory_space<hbm>>) target(%arg10 : memref<64x768xf32, #tpu.memory_space<vmem>>) offsets(%arg8 : memref<64xi32, #tpu.memory_space<vmem>>) semaphore(%arg12 : memref<!tpu.dma_semaphore, #tpu.memory_space<semaphore_mem>>)
    %dma_wait3A = arith.constant 0 : i32
    %dma_wait3A_8 = arith.constant 0 : i32
    %dma_wait3A_9 = tpu.memref_slice %arg2[%dma_wait3A, %dma_wait3A_8] : memref<5120x768xf32, #tpu.memory_space<hbm>> -> memref<5120x768xf32, #tpu.memory_space<hbm>>
    tpu.wait_indirect_dma semaphore(%arg11 : memref<!tpu.dma_semaphore, #tpu.memory_space<semaphore_mem>>) src(%dma_wait3A_9 : memref<5120x768xf32, #tpu.memory_space<hbm>>) dst(%arg9 : memref<64x768xf32, #tpu.memory_space<vmem>>)
    %dma_wait3A_10 = arith.constant 0 : i32
    %dma_wait3A_11 = arith.constant 0 : i32
    %dma_wait3A_12 = tpu.memref_slice %arg2[%dma_wait3A_10, %dma_wait3A_11] : memref<5120x768xf32, #tpu.memory_space<hbm>> -> memref<5120x768xf32, #tpu.memory_space<hbm>>
    tpu.wait_indirect_dma semaphore(%arg12 : memref<!tpu.dma_semaphore, #tpu.memory_space<semaphore_mem>>) src(%dma_wait3A_12 : memref<5120x768xf32, #tpu.memory_space<hbm>>) dst(%arg10 : memref<64x768xf32, #tpu.memory_space<vmem>>)
    "tpu.region"() ({
      %run_scoped3A = tpu.sem_alloc : memref<!tpu.dma_semaphore, #tpu.memory_space<semaphore_mem>>
      %dma_start3A_13 = arith.constant 0 : i32
      %dma_start3A_14 = tpu.memref_slice %arg5[%mul3A_2, %dma_start3A_13] : memref<2048x768xf32, #tpu.memory_space<hbm>> -> memref<64x768xf32, #tpu.memory_space<hbm>>
      %dma_start3A_15 = arith.constant 0 : i32
      %dma_start3A_16 = tpu.memref_slice %arg5[%mul3A_2, %dma_start3A_15] : memref<2048x768xf32, #tpu.memory_space<hbm>> -> memref<64x768xf32, #tpu.memory_space<hbm>>
      tpu.enqueue_dma source(%arg9 : memref<64x768xf32, #tpu.memory_space<vmem>>) target(%dma_start3A_16 : memref<64x768xf32, #tpu.memory_space<hbm>>) target_semaphore(%run_scoped3A : memref<!tpu.dma_semaphore, #tpu.memory_space<semaphore_mem>>)
      %dma_wait3A_17 = arith.constant 0 : i32
      %dma_wait3A_18 = tpu.memref_slice %arg5[%mul3A_2, %dma_wait3A_17] : memref<2048x768xf32, #tpu.memory_space<hbm>> -> memref<64x768xf32, #tpu.memory_space<hbm>>
      %dma_wait3A_19 = arith.constant 0 : i32
      %dma_wait3A_20 = tpu.memref_slice %arg5[%mul3A_2, %dma_wait3A_19] : memref<2048x768xf32, #tpu.memory_space<hbm>> -> memref<64x768xf32, #tpu.memory_space<hbm>>
      tpu.wait_dma2 semaphore(%run_scoped3A : memref<!tpu.dma_semaphore, #tpu.memory_space<semaphore_mem>>) src(%arg9 : memref<64x768xf32, #tpu.memory_space<vmem>>) dst(%dma_wait3A_20 : memref<64x768xf32, #tpu.memory_space<hbm>>)
      tpu.yield
    }) : () -> ()
    "tpu.region"() ({
      %run_scoped3A = tpu.sem_alloc : memref<!tpu.dma_semaphore, #tpu.memory_space<semaphore_mem>>
      %dma_start3A_13 = arith.constant 0 : i32
      %dma_start3A_14 = tpu.memref_slice %arg6[%mul3A_2, %dma_start3A_13] : memref<2048x768xf32, #tpu.memory_space<hbm>> -> memref<64x768xf32, #tpu.memory_space<hbm>>
      %dma_start3A_15 = arith.constant 0 : i32
      %dma_start3A_16 = tpu.memref_slice %arg6[%mul3A_2, %dma_start3A_15] : memref<2048x768xf32, #tpu.memory_space<hbm>> -> memref<64x768xf32, #tpu.memory_space<hbm>>
      tpu.enqueue_dma source(%arg10 : memref<64x768xf32, #tpu.memory_space<vmem>>) target(%dma_start3A_16 : memref<64x768xf32, #tpu.memory_space<hbm>>) target_semaphore(%run_scoped3A : memref<!tpu.dma_semaphore, #tpu.memory_space<semaphore_mem>>)
      %dma_wait3A_17 = arith.constant 0 : i32
      %dma_wait3A_18 = tpu.memref_slice %arg6[%mul3A_2, %dma_wait3A_17] : memref<2048x768xf32, #tpu.memory_space<hbm>> -> memref<64x768xf32, #tpu.memory_space<hbm>>
      %dma_wait3A_19 = arith.constant 0 : i32
      %dma_wait3A_20 = tpu.memref_slice %arg6[%mul3A_2, %dma_wait3A_19] : memref<2048x768xf32, #tpu.memory_space<hbm>> -> memref<64x768xf32, #tpu.memory_space<hbm>>
      tpu.wait_dma2 semaphore(%run_scoped3A : memref<!tpu.dma_semaphore, #tpu.memory_space<semaphore_mem>>) src(%arg10 : memref<64x768xf32, #tpu.memory_space<vmem>>) dst(%dma_wait3A_20 : memref<64x768xf32, #tpu.memory_space<hbm>>)
      tpu.yield
    }) : () -> ()
    return
  }
}

#map = affine_map<(d0, d1) -> (0, 0)>
#map1 = affine_map<(d0, d1) -> (0)>
module attributes {stable_mosaic.version = 14 : i64} {
  func.func @k(%arg0: i32, %arg1: i32, %arg2: memref<2048x768xf32, #tpu.memory_space<hbm>>, %arg3: memref<2048xi32, #tpu.memory_space<hbm>>, %arg4: memref<2048xi32, #tpu.memory_space<hbm>>, %arg5: memref<5632x768xf32, #tpu.memory_space<hbm>>, %arg6: memref<64xi32, #tpu.memory_space<vmem>>, %arg7: memref<64xi32, #tpu.memory_space<vmem>>, %arg8: memref<64x768xf32, #tpu.memory_space<vmem>>, %arg9: memref<!tpu.dma_semaphore, #tpu.memory_space<semaphore_mem>>, %arg10: memref<!tpu.dma_semaphore, #tpu.memory_space<semaphore_mem>>) attributes {dimension_semantics = [#tpu.dimension_semantics<core_parallel>, #tpu.dimension_semantics<subcore_parallel>], iteration_bounds = array<i64: 2, 16>, scalar_prefetch = 0 : i64, scratch_operands = 5 : i64, tpu.core_type = #tpu.core_type<sc_vector_subcore>, window_params = [{transform_indices = #map}, {transform_indices = #map1}, {transform_indices = #map1}, {transform_indices = #map}]} {
    %mul3A = arith.constant 2 : i32
    %mul3A_0 = arith.muli %arg1, %mul3A : i32
    %add3A = arith.addi %mul3A_0, %arg0 : i32
    %mul3A_1 = arith.constant 64 : i32
    %mul3A_2 = arith.muli %add3A, %mul3A_1 : i32
    "tpu.region"() ({
      %run_scoped3A = tpu.sem_alloc : memref<!tpu.dma_semaphore, #tpu.memory_space<semaphore_mem>>
      %dma_start3A_13 = arith.constant 0 : i32
      %dma_start3A_14 = tpu.memref_slice %arg2[%mul3A_2, %dma_start3A_13] : memref<2048x768xf32, #tpu.memory_space<hbm>> -> memref<64x768xf32, #tpu.memory_space<hbm>>
      %dma_start3A_15 = arith.constant 0 : i32
      %dma_start3A_16 = tpu.memref_slice %arg2[%mul3A_2, %dma_start3A_15] : memref<2048x768xf32, #tpu.memory_space<hbm>> -> memref<64x768xf32, #tpu.memory_space<hbm>>
      tpu.enqueue_dma source(%dma_start3A_16 : memref<64x768xf32, #tpu.memory_space<hbm>>) target(%arg8 : memref<64x768xf32, #tpu.memory_space<vmem>>) target_semaphore(%run_scoped3A : memref<!tpu.dma_semaphore, #tpu.memory_space<semaphore_mem>>)
      %dma_wait3A_17 = arith.constant 0 : i32
      %dma_wait3A_18 = tpu.memref_slice %arg2[%mul3A_2, %dma_wait3A_17] : memref<2048x768xf32, #tpu.memory_space<hbm>> -> memref<64x768xf32, #tpu.memory_space<hbm>>
      %dma_wait3A_19 = arith.constant 0 : i32
      %dma_wait3A_20 = tpu.memref_slice %arg2[%mul3A_2, %dma_wait3A_19] : memref<2048x768xf32, #tpu.memory_space<hbm>> -> memref<64x768xf32, #tpu.memory_space<hbm>>
      tpu.wait_dma2 semaphore(%run_scoped3A : memref<!tpu.dma_semaphore, #tpu.memory_space<semaphore_mem>>) src(%dma_wait3A_20 : memref<64x768xf32, #tpu.memory_space<hbm>>) dst(%arg8 : memref<64x768xf32, #tpu.memory_space<vmem>>)
      tpu.yield
    }) : () -> ()
    "tpu.region"() ({
      %run_scoped3A = tpu.sem_alloc : memref<!tpu.dma_semaphore, #tpu.memory_space<semaphore_mem>>
      %dma_start3A_13 = tpu.memref_slice %arg3[%mul3A_2] : memref<2048xi32, #tpu.memory_space<hbm>> -> memref<64xi32, #tpu.memory_space<hbm>>
      %dma_start3A_14 = tpu.memref_slice %arg3[%mul3A_2] : memref<2048xi32, #tpu.memory_space<hbm>> -> memref<64xi32, #tpu.memory_space<hbm>>
      tpu.enqueue_dma source(%dma_start3A_14 : memref<64xi32, #tpu.memory_space<hbm>>) target(%arg6 : memref<64xi32, #tpu.memory_space<vmem>>) target_semaphore(%run_scoped3A : memref<!tpu.dma_semaphore, #tpu.memory_space<semaphore_mem>>)
      %dma_wait3A_15 = tpu.memref_slice %arg3[%mul3A_2] : memref<2048xi32, #tpu.memory_space<hbm>> -> memref<64xi32, #tpu.memory_space<hbm>>
      %dma_wait3A_16 = tpu.memref_slice %arg3[%mul3A_2] : memref<2048xi32, #tpu.memory_space<hbm>> -> memref<64xi32, #tpu.memory_space<hbm>>
      tpu.wait_dma2 semaphore(%run_scoped3A : memref<!tpu.dma_semaphore, #tpu.memory_space<semaphore_mem>>) src(%dma_wait3A_16 : memref<64xi32, #tpu.memory_space<hbm>>) dst(%arg6 : memref<64xi32, #tpu.memory_space<vmem>>)
      tpu.yield
    }) : () -> ()
    "tpu.region"() ({
      %run_scoped3A = tpu.sem_alloc : memref<!tpu.dma_semaphore, #tpu.memory_space<semaphore_mem>>
      %dma_start3A_13 = tpu.memref_slice %arg4[%mul3A_2] : memref<2048xi32, #tpu.memory_space<hbm>> -> memref<64xi32, #tpu.memory_space<hbm>>
      %dma_start3A_14 = tpu.memref_slice %arg4[%mul3A_2] : memref<2048xi32, #tpu.memory_space<hbm>> -> memref<64xi32, #tpu.memory_space<hbm>>
      tpu.enqueue_dma source(%dma_start3A_14 : memref<64xi32, #tpu.memory_space<hbm>>) target(%arg7 : memref<64xi32, #tpu.memory_space<vmem>>) target_semaphore(%run_scoped3A : memref<!tpu.dma_semaphore, #tpu.memory_space<semaphore_mem>>)
      %dma_wait3A_15 = tpu.memref_slice %arg4[%mul3A_2] : memref<2048xi32, #tpu.memory_space<hbm>> -> memref<64xi32, #tpu.memory_space<hbm>>
      %dma_wait3A_16 = tpu.memref_slice %arg4[%mul3A_2] : memref<2048xi32, #tpu.memory_space<hbm>> -> memref<64xi32, #tpu.memory_space<hbm>>
      tpu.wait_dma2 semaphore(%run_scoped3A : memref<!tpu.dma_semaphore, #tpu.memory_space<semaphore_mem>>) src(%dma_wait3A_16 : memref<64xi32, #tpu.memory_space<hbm>>) dst(%arg7 : memref<64xi32, #tpu.memory_space<vmem>>)
      tpu.yield
    }) : () -> ()
    %dma_start3A = arith.constant 0 : i32
    %dma_start3A_3 = arith.constant 0 : i32
    %dma_start3A_4 = tpu.memref_slice %arg5[%dma_start3A, %dma_start3A_3] : memref<5632x768xf32, #tpu.memory_space<hbm>> -> memref<5632x768xf32, #tpu.memory_space<hbm>>
    tpu.enqueue_indirect_dma source(%arg8 : memref<64x768xf32, #tpu.memory_space<vmem>>) target(%dma_start3A_4 : memref<5632x768xf32, #tpu.memory_space<hbm>>) offsets(%arg6 : memref<64xi32, #tpu.memory_space<vmem>>) semaphore(%arg9 : memref<!tpu.dma_semaphore, #tpu.memory_space<semaphore_mem>>)
    %dma_start3A_5 = arith.constant 0 : i32
    %dma_start3A_6 = arith.constant 0 : i32
    %dma_start3A_7 = tpu.memref_slice %arg5[%dma_start3A_5, %dma_start3A_6] : memref<5632x768xf32, #tpu.memory_space<hbm>> -> memref<5632x768xf32, #tpu.memory_space<hbm>>
    tpu.enqueue_indirect_dma source(%arg8 : memref<64x768xf32, #tpu.memory_space<vmem>>) target(%dma_start3A_7 : memref<5632x768xf32, #tpu.memory_space<hbm>>) offsets(%arg7 : memref<64xi32, #tpu.memory_space<vmem>>) semaphore(%arg10 : memref<!tpu.dma_semaphore, #tpu.memory_space<semaphore_mem>>)
    %dma_wait3A = arith.constant 0 : i32
    %dma_wait3A_8 = arith.constant 0 : i32
    %dma_wait3A_9 = tpu.memref_slice %arg5[%dma_wait3A, %dma_wait3A_8] : memref<5632x768xf32, #tpu.memory_space<hbm>> -> memref<5632x768xf32, #tpu.memory_space<hbm>>
    tpu.wait_indirect_dma semaphore(%arg9 : memref<!tpu.dma_semaphore, #tpu.memory_space<semaphore_mem>>) src(%arg8 : memref<64x768xf32, #tpu.memory_space<vmem>>) dst(%dma_wait3A_9 : memref<5632x768xf32, #tpu.memory_space<hbm>>)
    %dma_wait3A_10 = arith.constant 0 : i32
    %dma_wait3A_11 = arith.constant 0 : i32
    %dma_wait3A_12 = tpu.memref_slice %arg5[%dma_wait3A_10, %dma_wait3A_11] : memref<5632x768xf32, #tpu.memory_space<hbm>> -> memref<5632x768xf32, #tpu.memory_space<hbm>>
    tpu.wait_indirect_dma semaphore(%arg10 : memref<!tpu.dma_semaphore, #tpu.memory_space<semaphore_mem>>) src(%arg8 : memref<64x768xf32, #tpu.memory_space<vmem>>) dst(%dma_wait3A_12 : memref<5632x768xf32, #tpu.memory_space<hbm>>)
    return
  }
}

module attributes {stable_mosaic.version = 14 : i64} {
  func.func @body(%arg0: i32, %arg1: memref<2048x768xf32, #tpu.memory_space<vmem>>, %arg2: memref<2304x768xf32, #tpu.memory_space<vmem>>, %arg3: memref<3x1x768xf32, #tpu.memory_space<vmem>>, %arg4: memref<768x768xf32, #tpu.memory_space<vmem>>, %arg5: memref<768xf32, #tpu.memory_space<vmem>>, %arg6: memref<768xf32, #tpu.memory_space<vmem>>, %arg7: memref<768xf32, #tpu.memory_space<vmem>>, %arg8: memref<768x16xf32, #tpu.memory_space<vmem>>, %arg9: memref<16xf32, #tpu.memory_space<vmem>>, %arg10: memref<512x768xf32, #tpu.memory_space<vmem>>, %arg11: memref<512x16xf32, #tpu.memory_space<vmem>>, %arg12: memref<2048xi32, #tpu.memory_space<vmem>>, %arg13: memref<2048xi32, #tpu.memory_space<vmem>>, %arg14: memref<2048xi32, #tpu.memory_space<vmem>>, %arg15: memref<2048xi32, #tpu.memory_space<vmem>>, %arg16: memref<2048x8xf32, #tpu.memory_space<vmem>>, %arg17: memref<2x2048x768xbf16, #tpu.memory_space<vmem>>, %arg18: memref<2048x16xf32, #tpu.memory_space<vmem>>) attributes {dimension_semantics = [#tpu.dimension_semantics<arbitrary>], iteration_bounds = array<i64: 5>, scalar_prefetch = 0 : i64, scratch_operands = 2 : i64, tpu.core_type = #tpu.core_type<tc>, window_params = [{pipeline_mode = #tpu.pipeline_mode<synchronous>, transform_indices = @transform_0, window_bounds = array<i64: 2048, 768>}, {pipeline_mode = #tpu.pipeline_mode<synchronous>, transform_indices = @transform_1, window_bounds = array<i64: 2304, 768>}, {pipeline_mode = #tpu.pipeline_mode<synchronous>, transform_indices = @transform_2, window_bounds = array<i64: 3, 1, 768>}, {pipeline_mode = #tpu.pipeline_mode<synchronous>, transform_indices = @transform_3, window_bounds = array<i64: 768, 768>}, {pipeline_mode = #tpu.pipeline_mode<synchronous>, transform_indices = @transform_4, window_bounds = array<i64: 768>}, {pipeline_mode = #tpu.pipeline_mode<synchronous>, transform_indices = @transform_5, window_bounds = array<i64: 768>}, {pipeline_mode = #tpu.pipeline_mode<synchronous>, transform_indices = @transform_6, window_bounds = array<i64: 768>}, {pipeline_mode = #tpu.pipeline_mode<synchronous>, transform_indices = @transform_7, window_bounds = array<i64: 768, 16>}, {pipeline_mode = #tpu.pipeline_mode<synchronous>, transform_indices = @transform_8, window_bounds = array<i64: 16>}, {transform_indices = @transform_9, window_bounds = array<i64: 512, 768>}, {transform_indices = @transform_10, window_bounds = array<i64: 512, 16>}, {pipeline_mode = #tpu.pipeline_mode<synchronous>, transform_indices = @transform_11, window_bounds = array<i64: 2048>}, {pipeline_mode = #tpu.pipeline_mode<synchronous>, transform_indices = @transform_12, window_bounds = array<i64: 2048>}, {pipeline_mode = #tpu.pipeline_mode<synchronous>, transform_indices = @transform_13, window_bounds = array<i64: 2048>}, {pipeline_mode = #tpu.pipeline_mode<synchronous>, transform_indices = @transform_14, window_bounds = array<i64: 2048>}, {pipeline_mode = #tpu.pipeline_mode<synchronous>, transform_indices = @transform_15, window_bounds = array<i64: 2048, 8>}]} {
    %iota3A = tpu.iota {dimensions = array<i32: 1>} : vector<1x768xi32>
    %jit3A = arith.constant 2 : i32
    %eq3A = arith.constant 0 : i32
    %eq3A_0 = arith.cmpi eq, %jit3A, %eq3A : i32
    %jit3A_1 = arith.constant 1 : i32
    %select_n3A = arith.select %eq3A_0, %jit3A_1, %jit3A : i32
    %rem3A = vector.broadcast %select_n3A : i32 to vector<1x768xi32>
    %rem3A_2 = arith.remsi %iota3A, %rem3A : vector<1x768xi32>
    %ne3A = arith.constant 0 : i32
    %ne3A_3 = vector.broadcast %ne3A : i32 to vector<1x768xi32>
    %ne3A_4 = arith.cmpi ne, %rem3A_2, %ne3A_3 : vector<1x768xi32>
    %lt3A = arith.constant 0 : i32
    %lt3A_5 = vector.broadcast %lt3A : i32 to vector<1x768xi32>
    %lt3A_6 = arith.cmpi slt, %rem3A_2, %lt3A_5 : vector<1x768xi32>
    %lt3A_7 = arith.constant 0 : i32
    %lt3A_8 = arith.cmpi slt, %select_n3A, %lt3A_7 : i32
    %ne3A_9 = vector.broadcast %lt3A_8 : i1 to vector<1x768xi1>
    %ne3A_10 = vector.broadcast %ne3A_9 : vector<1x768xi1> to vector<1x768xi1>
    %ne3A_11 = arith.xori %lt3A_6, %ne3A_10 : vector<1x768xi1>
    %and3A = arith.andi %ne3A_11, %ne3A_4 : vector<1x768xi1>
    %add3A = vector.broadcast %select_n3A : i32 to vector<1x768xi32>
    %add3A_12 = arith.addi %rem3A_2, %add3A : vector<1x768xi32>
    %select_n3A_13 = arith.select %and3A, %add3A_12, %rem3A_2 : vector<1x768xi1>, vector<1x768xi32>
    %convert_element_type3A = arith.sitofp %select_n3A_13 : vector<1x768xi32> to vector<1x768xf32>
    %eq3A_14 = arith.constant 0 : i32
    %eq3A_15 = arith.cmpi eq, %arg0, %eq3A_14 : i32
    %convert_element_type3A_16 = arith.extui %eq3A_15 : i1 to i32
    %cond3A = arith.constant 0 : i32
    %cond3A_17 = arith.cmpi ne, %convert_element_type3A_16, %cond3A : i32
    scf.if %cond3A_17 {
      %get3A = arith.constant 0 : index
      %get3A_27 = arith.constant 0 : index
      %get3A_28 = vector.load %arg1[%get3A, %get3A_27] : memref<2048x768xf32, #tpu.memory_space<vmem>>, vector<2048x768xf32>
      %mul3A = arith.constant 27.7128124 : f32
      %mul3A_29 = vector.broadcast %mul3A : f32 to vector<2048x768xf32>
      %mul3A_30 = arith.mulf %get3A_28, %mul3A_29 : vector<2048x768xf32>
      %add3A_31 = vector.broadcast %convert_element_type3A : vector<1x768xf32> to vector<2048x768xf32>
      %add3A_32 = arith.addf %mul3A_30, %add3A_31 : vector<2048x768xf32>
      %get3A_33 = arith.constant 0 : index
      %get3A_34 = arith.constant 0 : index
      %get3A_35 = vector.load %arg2[%get3A_33, %get3A_34] : memref<2304x768xf32, #tpu.memory_space<vmem>>, vector<2304x768xf32>
      %slice3A = vector.extract_strided_slice %get3A_35 {offsets = [768, 0], sizes = [768, 768], strides = [1, 1]} : vector<2304x768xf32> to vector<768x768xf32>
      %get3A_36 = arith.constant 0 : index
      %get3A_37 = arith.constant 0 : index
      %get3A_38 = vector.load %arg2[%get3A_36, %get3A_37] : memref<2304x768xf32, #tpu.memory_space<vmem>>, vector<2304x768xf32>
      %slice3A_39 = vector.extract_strided_slice %get3A_38 {offsets = [1536, 0], sizes = [768, 768], strides = [1, 1]} : vector<2304x768xf32> to vector<768x768xf32>
      %convert_element_type3A_40 = arith.truncf %add3A_32 : vector<2048x768xf32> to vector<2048x768xbf16>
      %convert_element_type3A_41 = arith.truncf %slice3A : vector<768x768xf32> to vector<768x768xbf16>
      %dot_general3A = arith.constant dense<0.000000e+00> : vector<2048x768xf32>
      %dot_general3A_42 = tpu.matmul %convert_element_type3A_40, %convert_element_type3A_41, %dot_general3A {dimension_numbers = #tpu.dot_dimension_numbers<[1], [1], [0], [0], [0, 0, 1, 0], [], []>, transpose_lhs_hint = false} : vector<2048x768xbf16>, vector<768x768xbf16>, vector<2048x768xf32> -> vector<2048x768xf32>
      %get3A_43 = arith.constant 1 : index
      %get3A_44 = arith.constant 0 : index
      %get3A_45 = arith.constant 0 : index
      %get3A_46 = vector.load %arg3[%get3A_43, %get3A_44, %get3A_45] : memref<3x1x768xf32, #tpu.memory_space<vmem>>, vector<1x1x768xf32>
      %get3A_47 = vector.shape_cast %get3A_46 : vector<1x1x768xf32> to vector<1x768xf32>
      %add3A_48 = vector.broadcast %get3A_47 : vector<1x768xf32> to vector<2048x768xf32>
      %add3A_49 = arith.addf %dot_general3A_42, %add3A_48 : vector<2048x768xf32>
      %convert_element_type3A_50 = arith.truncf %add3A_49 : vector<2048x768xf32> to vector<2048x768xbf16>
      %swap3A = arith.constant 0 : index
      %swap3A_51 = arith.constant 0 : index
      %swap3A_52 = arith.constant 0 : index
      %swap3A_53 = vector.load %arg17[%swap3A, %swap3A_51, %swap3A_52] : memref<2x2048x768xbf16, #tpu.memory_space<vmem>>, vector<1x2048x768xbf16>
      %swap3A_54 = vector.shape_cast %swap3A_53 : vector<1x2048x768xbf16> to vector<2048x768xbf16>
      %swap3A_55 = vector.shape_cast %convert_element_type3A_50 : vector<2048x768xbf16> to vector<1x2048x768xbf16>
      tpu.vector_store %arg17[%swap3A, %swap3A_51, %swap3A_52], %swap3A_55 {strides = array<i32>} : memref<2x2048x768xbf16, #tpu.memory_space<vmem>>, vector<1x2048x768xbf16>,
      %convert_element_type3A_56 = arith.truncf %add3A_32 : vector<2048x768xf32> to vector<2048x768xbf16>
      %convert_element_type3A_57 = arith.truncf %slice3A_39 : vector<768x768xf32> to vector<768x768xbf16>
      %dot_general3A_58 = arith.constant dense<0.000000e+00> : vector<2048x768xf32>
      %dot_general3A_59 = tpu.matmul %convert_element_type3A_56, %convert_element_type3A_57, %dot_general3A_58 {dimension_numbers = #tpu.dot_dimension_numbers<[1], [1], [0], [0], [0, 0, 1, 0], [], []>, transpose_lhs_hint = false} : vector<2048x768xbf16>, vector<768x768xbf16>, vector<2048x768xf32> -> vector<2048x768xf32>
      %get3A_60 = arith.constant 2 : index
      %get3A_61 = arith.constant 0 : index
      %get3A_62 = arith.constant 0 : index
      %get3A_63 = vector.load %arg3[%get3A_60, %get3A_61, %get3A_62] : memref<3x1x768xf32, #tpu.memory_space<vmem>>, vector<1x1x768xf32>
      %get3A_64 = vector.shape_cast %get3A_63 : vector<1x1x768xf32> to vector<1x768xf32>
      %add3A_65 = vector.broadcast %get3A_64 : vector<1x768xf32> to vector<2048x768xf32>
      %add3A_66 = arith.addf %dot_general3A_59, %add3A_65 : vector<2048x768xf32>
      %convert_element_type3A_67 = arith.truncf %add3A_66 : vector<2048x768xf32> to vector<2048x768xbf16>
      %swap3A_68 = arith.constant 1 : index
      %swap3A_69 = arith.constant 0 : index
      %swap3A_70 = arith.constant 0 : index
      %swap3A_71 = vector.load %arg17[%swap3A_68, %swap3A_69, %swap3A_70] : memref<2x2048x768xbf16, #tpu.memory_space<vmem>>, vector<1x2048x768xbf16>
      %swap3A_72 = vector.shape_cast %swap3A_71 : vector<1x2048x768xbf16> to vector<2048x768xbf16>
      %swap3A_73 = vector.shape_cast %convert_element_type3A_67 : vector<2048x768xbf16> to vector<1x2048x768xbf16>
      tpu.vector_store %arg17[%swap3A_68, %swap3A_69, %swap3A_70], %swap3A_73 {strides = array<i32>} : memref<2x2048x768xbf16, #tpu.memory_space<vmem>>, vector<1x2048x768xbf16>,
    } else {
    }
    %gt3A = arith.constant 0 : i32
    %gt3A_18 = arith.cmpi sgt, %arg0, %gt3A : i32
    %convert_element_type3A_19 = arith.extui %gt3A_18 : i1 to i32
    %cond3A_20 = arith.constant 0 : i32
    %cond3A_21 = arith.cmpi ne, %convert_element_type3A_19, %cond3A_20 : i32
    scf.if %cond3A_21 {
      %sub3A = arith.constant 1 : i32
      %sub3A_27 = arith.subi %arg0, %sub3A : i32
      %mul3A = arith.constant 512 : i32
      %mul3A_28 = arith.muli %sub3A_27, %mul3A : i32
      %get3A = arith.index_cast %mul3A_28 : i32 to index
      %get3A_29 = arith.constant 0 : index
      %get3A_30 = vector.load %arg1[%get3A, %get3A_29] : memref<2048x768xf32, #tpu.memory_space<vmem>>, vector<512x768xf32>
      %mul3A_31 = arith.constant 27.7128124 : f32
      %mul3A_32 = vector.broadcast %mul3A_31 : f32 to vector<512x768xf32>
      %mul3A_33 = arith.mulf %get3A_30, %mul3A_32 : vector<512x768xf32>
      %add3A_34 = vector.broadcast %convert_element_type3A : vector<1x768xf32> to vector<512x768xf32>
      %add3A_35 = arith.addf %mul3A_33, %add3A_34 : vector<512x768xf32>
      %get3A_36 = arith.constant 0 : index
      %get3A_37 = arith.constant 0 : index
      %get3A_38 = vector.load %arg2[%get3A_36, %get3A_37] : memref<2304x768xf32, #tpu.memory_space<vmem>>, vector<2304x768xf32>
      %slice3A = vector.extract_strided_slice %get3A_38 {offsets = [0, 0], sizes = [768, 768], strides = [1, 1]} : vector<2304x768xf32> to vector<768x768xf32>
      %convert_element_type3A_39 = arith.truncf %add3A_35 : vector<512x768xf32> to vector<512x768xbf16>
      %convert_element_type3A_40 = arith.truncf %slice3A : vector<768x768xf32> to vector<768x768xbf16>
      %dot_general3A = arith.constant dense<0.000000e+00> : vector<512x768xf32>
      %dot_general3A_41 = tpu.matmul %convert_element_type3A_39, %convert_element_type3A_40, %dot_general3A {dimension_numbers = #tpu.dot_dimension_numbers<[1], [1], [0], [0], [0, 0, 1, 0], [], []>, transpose_lhs_hint = false} : vector<512x768xbf16>, vector<768x768xbf16>, vector<512x768xf32> -> vector<512x768xf32>
      %get3A_42 = arith.constant 0 : index
      %get3A_43 = arith.constant 0 : index
      %get3A_44 = arith.constant 0 : index
      %get3A_45 = vector.load %arg3[%get3A_42, %get3A_43, %get3A_44] : memref<3x1x768xf32, #tpu.memory_space<vmem>>, vector<1x1x768xf32>
      %get3A_46 = vector.shape_cast %get3A_45 : vector<1x1x768xf32> to vector<1x768xf32>
      %add3A_47 = vector.broadcast %get3A_46 : vector<1x768xf32> to vector<512x768xf32>
      %add3A_48 = arith.addf %dot_general3A_41, %add3A_47 : vector<512x768xf32>
      %slice3A_49 = vector.extract_strided_slice %add3A_48 {offsets = [0, 0], sizes = [512, 64], strides = [1, 1]} : vector<512x768xf32> to vector<512x64xf32>
      %get3A_50 = arith.constant 0 : index
      %get3A_51 = arith.constant 0 : index
      %get3A_52 = arith.constant 0 : index
      %get3A_53 = vector.load %arg17[%get3A_50, %get3A_51, %get3A_52] : memref<2x2048x768xbf16, #tpu.memory_space<vmem>>, vector<1x2048x64xbf16>
      %get3A_54 = vector.shape_cast %get3A_53 : vector<1x2048x64xbf16> to vector<2048x64xbf16>
      %get3A_55 = arith.constant 1 : index
      %get3A_56 = arith.constant 0 : index
      %get3A_57 = arith.constant 0 : index
      %get3A_58 = vector.load %arg17[%get3A_55, %get3A_56, %get3A_57] : memref<2x2048x768xbf16, #tpu.memory_space<vmem>>, vector<1x2048x64xbf16>
      %get3A_59 = vector.shape_cast %get3A_58 : vector<1x2048x64xbf16> to vector<2048x64xbf16>
      %convert_element_type3A_60 = arith.truncf %slice3A_49 : vector<512x64xf32> to vector<512x64xbf16>
      %dot_general3A_61 = arith.constant dense<0.000000e+00> : vector<512x2048xf32>
      %dot_general3A_62 = tpu.matmul %convert_element_type3A_60, %get3A_54, %dot_general3A_61 {dimension_numbers = #tpu.dot_dimension_numbers<[1], [1], [0], [0], [0, 0, 1, 0], [], []>, transpose_lhs_hint = false} : vector<512x64xbf16>, vector<2048x64xbf16>, vector<512x2048xf32> -> vector<512x2048xf32>
      %mul3A_63 = arith.constant 1.250000e-01 : f32
      %mul3A_64 = vector.broadcast %mul3A_63 : f32 to vector<512x2048xf32>
      %mul3A_65 = arith.mulf %dot_general3A_62, %mul3A_64 : vector<512x2048xf32>
      %exp3A = math.exp %mul3A_65 : vector<512x2048xf32>
      %reduce_sum3A = arith.constant dense<0.000000e+00> : vector<512xf32>
      %reduce_sum3A_66 = vector.multi_reduction <add>, %exp3A, %reduce_sum3A [1] : vector<512x2048xf32> to vector<512xf32>
      %broadcast_in_dim3A = vector.shape_cast %reduce_sum3A_66 : vector<512xf32> to vector<512x1xf32>
      %convert_element_type3A_67 = arith.truncf %exp3A : vector<512x2048xf32> to vector<512x2048xbf16>
      %dot_general3A_68 = arith.constant dense<0.000000e+00> : vector<512x64xf32>
      %dot_general3A_69 = tpu.matmul %convert_element_type3A_67, %get3A_59, %dot_general3A_68 {dimension_numbers = #tpu.dot_dimension_numbers<[1], [0], [0], [1], [0, 0, 1, 1], [], []>, transpose_lhs_hint = false} : vector<512x2048xbf16>, vector<2048x64xbf16>, vector<512x64xf32> -> vector<512x64xf32>
      %div3A = vector.broadcast %broadcast_in_dim3A : vector<512x1xf32> to vector<512x64xf32>
      %div3A_70 = arith.divf %dot_general3A_69, %div3A : vector<512x64xf32>
      %slice3A_71 = vector.extract_strided_slice %add3A_48 {offsets = [0, 64], sizes = [512, 64], strides = [1, 1]} : vector<512x768xf32> to vector<512x64xf32>
      %get3A_72 = arith.constant 0 : index
      %get3A_73 = arith.constant 0 : index
      %get3A_74 = arith.constant 64 : index
      %get3A_75 = vector.load %arg17[%get3A_72, %get3A_73, %get3A_74] : memref<2x2048x768xbf16, #tpu.memory_space<vmem>>, vector<1x2048x64xbf16>
      %get3A_76 = vector.shape_cast %get3A_75 : vector<1x2048x64xbf16> to vector<2048x64xbf16>
      %get3A_77 = arith.constant 1 : index
      %get3A_78 = arith.constant 0 : index
      %get3A_79 = arith.constant 64 : index
      %get3A_80 = vector.load %arg17[%get3A_77, %get3A_78, %get3A_79] : memref<2x2048x768xbf16, #tpu.memory_space<vmem>>, vector<1x2048x64xbf16>
      %get3A_81 = vector.shape_cast %get3A_80 : vector<1x2048x64xbf16> to vector<2048x64xbf16>
      %convert_element_type3A_82 = arith.truncf %slice3A_71 : vector<512x64xf32> to vector<512x64xbf16>
      %dot_general3A_83 = arith.constant dense<0.000000e+00> : vector<512x2048xf32>
      %dot_general3A_84 = tpu.matmul %convert_element_type3A_82, %get3A_76, %dot_general3A_83 {dimension_numbers = #tpu.dot_dimension_numbers<[1], [1], [0], [0], [0, 0, 1, 0], [], []>, transpose_lhs_hint = false} : vector<512x64xbf16>, vector<2048x64xbf16>, vector<512x2048xf32> -> vector<512x2048xf32>
      %mul3A_85 = arith.constant 1.250000e-01 : f32
      %mul3A_86 = vector.broadcast %mul3A_85 : f32 to vector<512x2048xf32>
      %mul3A_87 = arith.mulf %dot_general3A_84, %mul3A_86 : vector<512x2048xf32>
      %exp3A_88 = math.exp %mul3A_87 : vector<512x2048xf32>
      %reduce_sum3A_89 = arith.constant dense<0.000000e+00> : vector<512xf32>
      %reduce_sum3A_90 = vector.multi_reduction <add>, %exp3A_88, %reduce_sum3A_89 [1] : vector<512x2048xf32> to vector<512xf32>
      %broadcast_in_dim3A_91 = vector.shape_cast %reduce_sum3A_90 : vector<512xf32> to vector<512x1xf32>
      %convert_element_type3A_92 = arith.truncf %exp3A_88 : vector<512x2048xf32> to vector<512x2048xbf16>
      %dot_general3A_93 = arith.constant dense<0.000000e+00> : vector<512x64xf32>
      %dot_general3A_94 = tpu.matmul %convert_element_type3A_92, %get3A_81, %dot_general3A_93 {dimension_numbers = #tpu.dot_dimension_numbers<[1], [0], [0], [1], [0, 0, 1, 1], [], []>, transpose_lhs_hint = false} : vector<512x2048xbf16>, vector<2048x64xbf16>, vector<512x64xf32> -> vector<512x64xf32>
      %div3A_95 = vector.broadcast %broadcast_in_dim3A_91 : vector<512x1xf32> to vector<512x64xf32>
      %div3A_96 = arith.divf %dot_general3A_94, %div3A_95 : vector<512x64xf32>
      %slice3A_97 = vector.extract_strided_slice %add3A_48 {offsets = [0, 128], sizes = [512, 64], strides = [1, 1]} : vector<512x768xf32> to vector<512x64xf32>
      %get3A_98 = arith.constant 0 : index
      %get3A_99 = arith.constant 0 : index
      %get3A_100 = arith.constant 128 : index
      %get3A_101 = vector.load %arg17[%get3A_98, %get3A_99, %get3A_100] : memref<2x2048x768xbf16, #tpu.memory_space<vmem>>, vector<1x2048x64xbf16>
      %get3A_102 = vector.shape_cast %get3A_101 : vector<1x2048x64xbf16> to vector<2048x64xbf16>
      %get3A_103 = arith.constant 1 : index
      %get3A_104 = arith.constant 0 : index
      %get3A_105 = arith.constant 128 : index
      %get3A_106 = vector.load %arg17[%get3A_103, %get3A_104, %get3A_105] : memref<2x2048x768xbf16, #tpu.memory_space<vmem>>, vector<1x2048x64xbf16>
      %get3A_107 = vector.shape_cast %get3A_106 : vector<1x2048x64xbf16> to vector<2048x64xbf16>
      %convert_element_type3A_108 = arith.truncf %slice3A_97 : vector<512x64xf32> to vector<512x64xbf16>
      %dot_general3A_109 = arith.constant dense<0.000000e+00> : vector<512x2048xf32>
      %dot_general3A_110 = tpu.matmul %convert_element_type3A_108, %get3A_102, %dot_general3A_109 {dimension_numbers = #tpu.dot_dimension_numbers<[1], [1], [0], [0], [0, 0, 1, 0], [], []>, transpose_lhs_hint = false} : vector<512x64xbf16>, vector<2048x64xbf16>, vector<512x2048xf32> -> vector<512x2048xf32>
      %mul3A_111 = arith.constant 1.250000e-01 : f32
      %mul3A_112 = vector.broadcast %mul3A_111 : f32 to vector<512x2048xf32>
      %mul3A_113 = arith.mulf %dot_general3A_110, %mul3A_112 : vector<512x2048xf32>
      %exp3A_114 = math.exp %mul3A_113 : vector<512x2048xf32>
      %reduce_sum3A_115 = arith.constant dense<0.000000e+00> : vector<512xf32>
      %reduce_sum3A_116 = vector.multi_reduction <add>, %exp3A_114, %reduce_sum3A_115 [1] : vector<512x2048xf32> to vector<512xf32>
      %broadcast_in_dim3A_117 = vector.shape_cast %reduce_sum3A_116 : vector<512xf32> to vector<512x1xf32>
      %convert_element_type3A_118 = arith.truncf %exp3A_114 : vector<512x2048xf32> to vector<512x2048xbf16>
      %dot_general3A_119 = arith.constant dense<0.000000e+00> : vector<512x64xf32>
      %dot_general3A_120 = tpu.matmul %convert_element_type3A_118, %get3A_107, %dot_general3A_119 {dimension_numbers = #tpu.dot_dimension_numbers<[1], [0], [0], [1], [0, 0, 1, 1], [], []>, transpose_lhs_hint = false} : vector<512x2048xbf16>, vector<2048x64xbf16>, vector<512x64xf32> -> vector<512x64xf32>
      %div3A_121 = vector.broadcast %broadcast_in_dim3A_117 : vector<512x1xf32> to vector<512x64xf32>
      %div3A_122 = arith.divf %dot_general3A_120, %div3A_121 : vector<512x64xf32>
      %slice3A_123 = vector.extract_strided_slice %add3A_48 {offsets = [0, 192], sizes = [512, 64], strides = [1, 1]} : vector<512x768xf32> to vector<512x64xf32>
      %get3A_124 = arith.constant 0 : index
      %get3A_125 = arith.constant 0 : index
      %get3A_126 = arith.constant 192 : index
      %get3A_127 = vector.load %arg17[%get3A_124, %get3A_125, %get3A_126] : memref<2x2048x768xbf16, #tpu.memory_space<vmem>>, vector<1x2048x64xbf16>
      %get3A_128 = vector.shape_cast %get3A_127 : vector<1x2048x64xbf16> to vector<2048x64xbf16>
      %get3A_129 = arith.constant 1 : index
      %get3A_130 = arith.constant 0 : index
      %get3A_131 = arith.constant 192 : index
      %get3A_132 = vector.load %arg17[%get3A_129, %get3A_130, %get3A_131] : memref<2x2048x768xbf16, #tpu.memory_space<vmem>>, vector<1x2048x64xbf16>
      %get3A_133 = vector.shape_cast %get3A_132 : vector<1x2048x64xbf16> to vector<2048x64xbf16>
      %convert_element_type3A_134 = arith.truncf %slice3A_123 : vector<512x64xf32> to vector<512x64xbf16>
      %dot_general3A_135 = arith.constant dense<0.000000e+00> : vector<512x2048xf32>
      %dot_general3A_136 = tpu.matmul %convert_element_type3A_134, %get3A_128, %dot_general3A_135 {dimension_numbers = #tpu.dot_dimension_numbers<[1], [1], [0], [0], [0, 0, 1, 0], [], []>, transpose_lhs_hint = false} : vector<512x64xbf16>, vector<2048x64xbf16>, vector<512x2048xf32> -> vector<512x2048xf32>
      %mul3A_137 = arith.constant 1.250000e-01 : f32
      %mul3A_138 = vector.broadcast %mul3A_137 : f32 to vector<512x2048xf32>
      %mul3A_139 = arith.mulf %dot_general3A_136, %mul3A_138 : vector<512x2048xf32>
      %exp3A_140 = math.exp %mul3A_139 : vector<512x2048xf32>
      %reduce_sum3A_141 = arith.constant dense<0.000000e+00> : vector<512xf32>
      %reduce_sum3A_142 = vector.multi_reduction <add>, %exp3A_140, %reduce_sum3A_141 [1] : vector<512x2048xf32> to vector<512xf32>
      %broadcast_in_dim3A_143 = vector.shape_cast %reduce_sum3A_142 : vector<512xf32> to vector<512x1xf32>
      %convert_element_type3A_144 = arith.truncf %exp3A_140 : vector<512x2048xf32> to vector<512x2048xbf16>
      %dot_general3A_145 = arith.constant dense<0.000000e+00> : vector<512x64xf32>
      %dot_general3A_146 = tpu.matmul %convert_element_type3A_144, %get3A_133, %dot_general3A_145 {dimension_numbers = #tpu.dot_dimension_numbers<[1], [0], [0], [1], [0, 0, 1, 1], [], []>, transpose_lhs_hint = false} : vector<512x2048xbf16>, vector<2048x64xbf16>, vector<512x64xf32> -> vector<512x64xf32>
      %div3A_147 = vector.broadcast %broadcast_in_dim3A_143 : vector<512x1xf32> to vector<512x64xf32>
      %div3A_148 = arith.divf %dot_general3A_146, %div3A_147 : vector<512x64xf32>
      %slice3A_149 = vector.extract_strided_slice %add3A_48 {offsets = [0, 256], sizes = [512, 64], strides = [1, 1]} : vector<512x768xf32> to vector<512x64xf32>
      %get3A_150 = arith.constant 0 : index
      %get3A_151 = arith.constant 0 : index
      %get3A_152 = arith.constant 256 : index
      %get3A_153 = vector.load %arg17[%get3A_150, %get3A_151, %get3A_152] : memref<2x2048x768xbf16, #tpu.memory_space<vmem>>, vector<1x2048x64xbf16>
      %get3A_154 = vector.shape_cast %get3A_153 : vector<1x2048x64xbf16> to vector<2048x64xbf16>
      %get3A_155 = arith.constant 1 : index
      %get3A_156 = arith.constant 0 : index
      %get3A_157 = arith.constant 256 : index
      %get3A_158 = vector.load %arg17[%get3A_155, %get3A_156, %get3A_157] : memref<2x2048x768xbf16, #tpu.memory_space<vmem>>, vector<1x2048x64xbf16>
      %get3A_159 = vector.shape_cast %get3A_158 : vector<1x2048x64xbf16> to vector<2048x64xbf16>
      %convert_element_type3A_160 = arith.truncf %slice3A_149 : vector<512x64xf32> to vector<512x64xbf16>
      %dot_general3A_161 = arith.constant dense<0.000000e+00> : vector<512x2048xf32>
      %dot_general3A_162 = tpu.matmul %convert_element_type3A_160, %get3A_154, %dot_general3A_161 {dimension_numbers = #tpu.dot_dimension_numbers<[1], [1], [0], [0], [0, 0, 1, 0], [], []>, transpose_lhs_hint = false} : vector<512x64xbf16>, vector<2048x64xbf16>, vector<512x2048xf32> -> vector<512x2048xf32>
      %mul3A_163 = arith.constant 1.250000e-01 : f32
      %mul3A_164 = vector.broadcast %mul3A_163 : f32 to vector<512x2048xf32>
      %mul3A_165 = arith.mulf %dot_general3A_162, %mul3A_164 : vector<512x2048xf32>
      %exp3A_166 = math.exp %mul3A_165 : vector<512x2048xf32>
      %reduce_sum3A_167 = arith.constant dense<0.000000e+00> : vector<512xf32>
      %reduce_sum3A_168 = vector.multi_reduction <add>, %exp3A_166, %reduce_sum3A_167 [1] : vector<512x2048xf32> to vector<512xf32>
      %broadcast_in_dim3A_169 = vector.shape_cast %reduce_sum3A_168 : vector<512xf32> to vector<512x1xf32>
      %convert_element_type3A_170 = arith.truncf %exp3A_166 : vector<512x2048xf32> to vector<512x2048xbf16>
      %dot_general3A_171 = arith.constant dense<0.000000e+00> : vector<512x64xf32>
      %dot_general3A_172 = tpu.matmul %convert_element_type3A_170, %get3A_159, %dot_general3A_171 {dimension_numbers = #tpu.dot_dimension_numbers<[1], [0], [0], [1], [0, 0, 1, 1], [], []>, transpose_lhs_hint = false} : vector<512x2048xbf16>, vector<2048x64xbf16>, vector<512x64xf32> -> vector<512x64xf32>
      %div3A_173 = vector.broadcast %broadcast_in_dim3A_169 : vector<512x1xf32> to vector<512x64xf32>
      %div3A_174 = arith.divf %dot_general3A_172, %div3A_173 : vector<512x64xf32>
      %slice3A_175 = vector.extract_strided_slice %add3A_48 {offsets = [0, 320], sizes = [512, 64], strides = [1, 1]} : vector<512x768xf32> to vector<512x64xf32>
      %get3A_176 = arith.constant 0 : index
      %get3A_177 = arith.constant 0 : index
      %get3A_178 = arith.constant 320 : index
      %get3A_179 = vector.load %arg17[%get3A_176, %get3A_177, %get3A_178] : memref<2x2048x768xbf16, #tpu.memory_space<vmem>>, vector<1x2048x64xbf16>
      %get3A_180 = vector.shape_cast %get3A_179 : vector<1x2048x64xbf16> to vector<2048x64xbf16>
      %get3A_181 = arith.constant 1 : index
      %get3A_182 = arith.constant 0 : index
      %get3A_183 = arith.constant 320 : index
      %get3A_184 = vector.load %arg17[%get3A_181, %get3A_182, %get3A_183] : memref<2x2048x768xbf16, #tpu.memory_space<vmem>>, vector<1x2048x64xbf16>
      %get3A_185 = vector.shape_cast %get3A_184 : vector<1x2048x64xbf16> to vector<2048x64xbf16>
      %convert_element_type3A_186 = arith.truncf %slice3A_175 : vector<512x64xf32> to vector<512x64xbf16>
      %dot_general3A_187 = arith.constant dense<0.000000e+00> : vector<512x2048xf32>
      %dot_general3A_188 = tpu.matmul %convert_element_type3A_186, %get3A_180, %dot_general3A_187 {dimension_numbers = #tpu.dot_dimension_numbers<[1], [1], [0], [0], [0, 0, 1, 0], [], []>, transpose_lhs_hint = false} : vector<512x64xbf16>, vector<2048x64xbf16>, vector<512x2048xf32> -> vector<512x2048xf32>
      %mul3A_189 = arith.constant 1.250000e-01 : f32
      %mul3A_190 = vector.broadcast %mul3A_189 : f32 to vector<512x2048xf32>
      %mul3A_191 = arith.mulf %dot_general3A_188, %mul3A_190 : vector<512x2048xf32>
      %exp3A_192 = math.exp %mul3A_191 : vector<512x2048xf32>
      %reduce_sum3A_193 = arith.constant dense<0.000000e+00> : vector<512xf32>
      %reduce_sum3A_194 = vector.multi_reduction <add>, %exp3A_192, %reduce_sum3A_193 [1] : vector<512x2048xf32> to vector<512xf32>
      %broadcast_in_dim3A_195 = vector.shape_cast %reduce_sum3A_194 : vector<512xf32> to vector<512x1xf32>
      %convert_element_type3A_196 = arith.truncf %exp3A_192 : vector<512x2048xf32> to vector<512x2048xbf16>
      %dot_general3A_197 = arith.constant dense<0.000000e+00> : vector<512x64xf32>
      %dot_general3A_198 = tpu.matmul %convert_element_type3A_196, %get3A_185, %dot_general3A_197 {dimension_numbers = #tpu.dot_dimension_numbers<[1], [0], [0], [1], [0, 0, 1, 1], [], []>, transpose_lhs_hint = false} : vector<512x2048xbf16>, vector<2048x64xbf16>, vector<512x64xf32> -> vector<512x64xf32>
      %div3A_199 = vector.broadcast %broadcast_in_dim3A_195 : vector<512x1xf32> to vector<512x64xf32>
      %div3A_200 = arith.divf %dot_general3A_198, %div3A_199 : vector<512x64xf32>
      %slice3A_201 = vector.extract_strided_slice %add3A_48 {offsets = [0, 384], sizes = [512, 64], strides = [1, 1]} : vector<512x768xf32> to vector<512x64xf32>
      %get3A_202 = arith.constant 0 : index
      %get3A_203 = arith.constant 0 : index
      %get3A_204 = arith.constant 384 : index
      %get3A_205 = vector.load %arg17[%get3A_202, %get3A_203, %get3A_204] : memref<2x2048x768xbf16, #tpu.memory_space<vmem>>, vector<1x2048x64xbf16>
      %get3A_206 = vector.shape_cast %get3A_205 : vector<1x2048x64xbf16> to vector<2048x64xbf16>
      %get3A_207 = arith.constant 1 : index
      %get3A_208 = arith.constant 0 : index
      %get3A_209 = arith.constant 384 : index
      %get3A_210 = vector.load %arg17[%get3A_207, %get3A_208, %get3A_209] : memref<2x2048x768xbf16, #tpu.memory_space<vmem>>, vector<1x2048x64xbf16>
      %get3A_211 = vector.shape_cast %get3A_210 : vector<1x2048x64xbf16> to vector<2048x64xbf16>
      %convert_element_type3A_212 = arith.truncf %slice3A_201 : vector<512x64xf32> to vector<512x64xbf16>
      %dot_general3A_213 = arith.constant dense<0.000000e+00> : vector<512x2048xf32>
      %dot_general3A_214 = tpu.matmul %convert_element_type3A_212, %get3A_206, %dot_general3A_213 {dimension_numbers = #tpu.dot_dimension_numbers<[1], [1], [0], [0], [0, 0, 1, 0], [], []>, transpose_lhs_hint = false} : vector<512x64xbf16>, vector<2048x64xbf16>, vector<512x2048xf32> -> vector<512x2048xf32>
      %mul3A_215 = arith.constant 1.250000e-01 : f32
      %mul3A_216 = vector.broadcast %mul3A_215 : f32 to vector<512x2048xf32>
      %mul3A_217 = arith.mulf %dot_general3A_214, %mul3A_216 : vector<512x2048xf32>
      %exp3A_218 = math.exp %mul3A_217 : vector<512x2048xf32>
      %reduce_sum3A_219 = arith.constant dense<0.000000e+00> : vector<512xf32>
      %reduce_sum3A_220 = vector.multi_reduction <add>, %exp3A_218, %reduce_sum3A_219 [1] : vector<512x2048xf32> to vector<512xf32>
      %broadcast_in_dim3A_221 = vector.shape_cast %reduce_sum3A_220 : vector<512xf32> to vector<512x1xf32>
      %convert_element_type3A_222 = arith.truncf %exp3A_218 : vector<512x2048xf32> to vector<512x2048xbf16>
      %dot_general3A_223 = arith.constant dense<0.000000e+00> : vector<512x64xf32>
      %dot_general3A_224 = tpu.matmul %convert_element_type3A_222, %get3A_211, %dot_general3A_223 {dimension_numbers = #tpu.dot_dimension_numbers<[1], [0], [0], [1], [0, 0, 1, 1], [], []>, transpose_lhs_hint = false} : vector<512x2048xbf16>, vector<2048x64xbf16>, vector<512x64xf32> -> vector<512x64xf32>
      %div3A_225 = vector.broadcast %broadcast_in_dim3A_221 : vector<512x1xf32> to vector<512x64xf32>
      %div3A_226 = arith.divf %dot_general3A_224, %div3A_225 : vector<512x64xf32>
      %slice3A_227 = vector.extract_strided_slice %add3A_48 {offsets = [0, 448], sizes = [512, 64], strides = [1, 1]} : vector<512x768xf32> to vector<512x64xf32>
      %get3A_228 = arith.constant 0 : index
      %get3A_229 = arith.constant 0 : index
      %get3A_230 = arith.constant 448 : index
      %get3A_231 = vector.load %arg17[%get3A_228, %get3A_229, %get3A_230] : memref<2x2048x768xbf16, #tpu.memory_space<vmem>>, vector<1x2048x64xbf16>
      %get3A_232 = vector.shape_cast %get3A_231 : vector<1x2048x64xbf16> to vector<2048x64xbf16>
      %get3A_233 = arith.constant 1 : index
      %get3A_234 = arith.constant 0 : index
      %get3A_235 = arith.constant 448 : index
      %get3A_236 = vector.load %arg17[%get3A_233, %get3A_234, %get3A_235] : memref<2x2048x768xbf16, #tpu.memory_space<vmem>>, vector<1x2048x64xbf16>
      %get3A_237 = vector.shape_cast %get3A_236 : vector<1x2048x64xbf16> to vector<2048x64xbf16>
      %convert_element_type3A_238 = arith.truncf %slice3A_227 : vector<512x64xf32> to vector<512x64xbf16>
      %dot_general3A_239 = arith.constant dense<0.000000e+00> : vector<512x2048xf32>
      %dot_general3A_240 = tpu.matmul %convert_element_type3A_238, %get3A_232, %dot_general3A_239 {dimension_numbers = #tpu.dot_dimension_numbers<[1], [1], [0], [0], [0, 0, 1, 0], [], []>, transpose_lhs_hint = false} : vector<512x64xbf16>, vector<2048x64xbf16>, vector<512x2048xf32> -> vector<512x2048xf32>
      %mul3A_241 = arith.constant 1.250000e-01 : f32
      %mul3A_242 = vector.broadcast %mul3A_241 : f32 to vector<512x2048xf32>
      %mul3A_243 = arith.mulf %dot_general3A_240, %mul3A_242 : vector<512x2048xf32>
      %exp3A_244 = math.exp %mul3A_243 : vector<512x2048xf32>
      %reduce_sum3A_245 = arith.constant dense<0.000000e+00> : vector<512xf32>
      %reduce_sum3A_246 = vector.multi_reduction <add>, %exp3A_244, %reduce_sum3A_245 [1] : vector<512x2048xf32> to vector<512xf32>
      %broadcast_in_dim3A_247 = vector.shape_cast %reduce_sum3A_246 : vector<512xf32> to vector<512x1xf32>
      %convert_element_type3A_248 = arith.truncf %exp3A_244 : vector<512x2048xf32> to vector<512x2048xbf16>
      %dot_general3A_249 = arith.constant dense<0.000000e+00> : vector<512x64xf32>
      %dot_general3A_250 = tpu.matmul %convert_element_type3A_248, %get3A_237, %dot_general3A_249 {dimension_numbers = #tpu.dot_dimension_numbers<[1], [0], [0], [1], [0, 0, 1, 1], [], []>, transpose_lhs_hint = false} : vector<512x2048xbf16>, vector<2048x64xbf16>, vector<512x64xf32> -> vector<512x64xf32>
      %div3A_251 = vector.broadcast %broadcast_in_dim3A_247 : vector<512x1xf32> to vector<512x64xf32>
      %div3A_252 = arith.divf %dot_general3A_250, %div3A_251 : vector<512x64xf32>
      %slice3A_253 = vector.extract_strided_slice %add3A_48 {offsets = [0, 512], sizes = [512, 64], strides = [1, 1]} : vector<512x768xf32> to vector<512x64xf32>
      %get3A_254 = arith.constant 0 : index
      %get3A_255 = arith.constant 0 : index
      %get3A_256 = arith.constant 512 : index
      %get3A_257 = vector.load %arg17[%get3A_254, %get3A_255, %get3A_256] : memref<2x2048x768xbf16, #tpu.memory_space<vmem>>, vector<1x2048x64xbf16>
      %get3A_258 = vector.shape_cast %get3A_257 : vector<1x2048x64xbf16> to vector<2048x64xbf16>
      %get3A_259 = arith.constant 1 : index
      %get3A_260 = arith.constant 0 : index
      %get3A_261 = arith.constant 512 : index
      %get3A_262 = vector.load %arg17[%get3A_259, %get3A_260, %get3A_261] : memref<2x2048x768xbf16, #tpu.memory_space<vmem>>, vector<1x2048x64xbf16>
      %get3A_263 = vector.shape_cast %get3A_262 : vector<1x2048x64xbf16> to vector<2048x64xbf16>
      %convert_element_type3A_264 = arith.truncf %slice3A_253 : vector<512x64xf32> to vector<512x64xbf16>
      %dot_general3A_265 = arith.constant dense<0.000000e+00> : vector<512x2048xf32>
      %dot_general3A_266 = tpu.matmul %convert_element_type3A_264, %get3A_258, %dot_general3A_265 {dimension_numbers = #tpu.dot_dimension_numbers<[1], [1], [0], [0], [0, 0, 1, 0], [], []>, transpose_lhs_hint = false} : vector<512x64xbf16>, vector<2048x64xbf16>, vector<512x2048xf32> -> vector<512x2048xf32>
      %mul3A_267 = arith.constant 1.250000e-01 : f32
      %mul3A_268 = vector.broadcast %mul3A_267 : f32 to vector<512x2048xf32>
      %mul3A_269 = arith.mulf %dot_general3A_266, %mul3A_268 : vector<512x2048xf32>
      %exp3A_270 = math.exp %mul3A_269 : vector<512x2048xf32>
      %reduce_sum3A_271 = arith.constant dense<0.000000e+00> : vector<512xf32>
      %reduce_sum3A_272 = vector.multi_reduction <add>, %exp3A_270, %reduce_sum3A_271 [1] : vector<512x2048xf32> to vector<512xf32>
      %broadcast_in_dim3A_273 = vector.shape_cast %reduce_sum3A_272 : vector<512xf32> to vector<512x1xf32>
      %convert_element_type3A_274 = arith.truncf %exp3A_270 : vector<512x2048xf32> to vector<512x2048xbf16>
      %dot_general3A_275 = arith.constant dense<0.000000e+00> : vector<512x64xf32>
      %dot_general3A_276 = tpu.matmul %convert_element_type3A_274, %get3A_263, %dot_general3A_275 {dimension_numbers = #tpu.dot_dimension_numbers<[1], [0], [0], [1], [0, 0, 1, 1], [], []>, transpose_lhs_hint = false} : vector<512x2048xbf16>, vector<2048x64xbf16>, vector<512x64xf32> -> vector<512x64xf32>
      %div3A_277 = vector.broadcast %broadcast_in_dim3A_273 : vector<512x1xf32> to vector<512x64xf32>
      %div3A_278 = arith.divf %dot_general3A_276, %div3A_277 : vector<512x64xf32>
      %slice3A_279 = vector.extract_strided_slice %add3A_48 {offsets = [0, 576], sizes = [512, 64], strides = [1, 1]} : vector<512x768xf32> to vector<512x64xf32>
      %get3A_280 = arith.constant 0 : index
      %get3A_281 = arith.constant 0 : index
      %get3A_282 = arith.constant 576 : index
      %get3A_283 = vector.load %arg17[%get3A_280, %get3A_281, %get3A_282] : memref<2x2048x768xbf16, #tpu.memory_space<vmem>>, vector<1x2048x64xbf16>
      %get3A_284 = vector.shape_cast %get3A_283 : vector<1x2048x64xbf16> to vector<2048x64xbf16>
      %get3A_285 = arith.constant 1 : index
      %get3A_286 = arith.constant 0 : index
      %get3A_287 = arith.constant 576 : index
      %get3A_288 = vector.load %arg17[%get3A_285, %get3A_286, %get3A_287] : memref<2x2048x768xbf16, #tpu.memory_space<vmem>>, vector<1x2048x64xbf16>
      %get3A_289 = vector.shape_cast %get3A_288 : vector<1x2048x64xbf16> to vector<2048x64xbf16>
      %convert_element_type3A_290 = arith.truncf %slice3A_279 : vector<512x64xf32> to vector<512x64xbf16>
      %dot_general3A_291 = arith.constant dense<0.000000e+00> : vector<512x2048xf32>
      %dot_general3A_292 = tpu.matmul %convert_element_type3A_290, %get3A_284, %dot_general3A_291 {dimension_numbers = #tpu.dot_dimension_numbers<[1], [1], [0], [0], [0, 0, 1, 0], [], []>, transpose_lhs_hint = false} : vector<512x64xbf16>, vector<2048x64xbf16>, vector<512x2048xf32> -> vector<512x2048xf32>
      %mul3A_293 = arith.constant 1.250000e-01 : f32
      %mul3A_294 = vector.broadcast %mul3A_293 : f32 to vector<512x2048xf32>
      %mul3A_295 = arith.mulf %dot_general3A_292, %mul3A_294 : vector<512x2048xf32>
      %exp3A_296 = math.exp %mul3A_295 : vector<512x2048xf32>
      %reduce_sum3A_297 = arith.constant dense<0.000000e+00> : vector<512xf32>
      %reduce_sum3A_298 = vector.multi_reduction <add>, %exp3A_296, %reduce_sum3A_297 [1] : vector<512x2048xf32> to vector<512xf32>
      %broadcast_in_dim3A_299 = vector.shape_cast %reduce_sum3A_298 : vector<512xf32> to vector<512x1xf32>
      %convert_element_type3A_300 = arith.truncf %exp3A_296 : vector<512x2048xf32> to vector<512x2048xbf16>
      %dot_general3A_301 = arith.constant dense<0.000000e+00> : vector<512x64xf32>
      %dot_general3A_302 = tpu.matmul %convert_element_type3A_300, %get3A_289, %dot_general3A_301 {dimension_numbers = #tpu.dot_dimension_numbers<[1], [0], [0], [1], [0, 0, 1, 1], [], []>, transpose_lhs_hint = false} : vector<512x2048xbf16>, vector<2048x64xbf16>, vector<512x64xf32> -> vector<512x64xf32>
      %div3A_303 = vector.broadcast %broadcast_in_dim3A_299 : vector<512x1xf32> to vector<512x64xf32>
      %div3A_304 = arith.divf %dot_general3A_302, %div3A_303 : vector<512x64xf32>
      %slice3A_305 = vector.extract_strided_slice %add3A_48 {offsets = [0, 640], sizes = [512, 64], strides = [1, 1]} : vector<512x768xf32> to vector<512x64xf32>
      %get3A_306 = arith.constant 0 : index
      %get3A_307 = arith.constant 0 : index
      %get3A_308 = arith.constant 640 : index
      %get3A_309 = vector.load %arg17[%get3A_306, %get3A_307, %get3A_308] : memref<2x2048x768xbf16, #tpu.memory_space<vmem>>, vector<1x2048x64xbf16>
      %get3A_310 = vector.shape_cast %get3A_309 : vector<1x2048x64xbf16> to vector<2048x64xbf16>
      %get3A_311 = arith.constant 1 : index
      %get3A_312 = arith.constant 0 : index
      %get3A_313 = arith.constant 640 : index
      %get3A_314 = vector.load %arg17[%get3A_311, %get3A_312, %get3A_313] : memref<2x2048x768xbf16, #tpu.memory_space<vmem>>, vector<1x2048x64xbf16>
      %get3A_315 = vector.shape_cast %get3A_314 : vector<1x2048x64xbf16> to vector<2048x64xbf16>
      %convert_element_type3A_316 = arith.truncf %slice3A_305 : vector<512x64xf32> to vector<512x64xbf16>
      %dot_general3A_317 = arith.constant dense<0.000000e+00> : vector<512x2048xf32>
      %dot_general3A_318 = tpu.matmul %convert_element_type3A_316, %get3A_310, %dot_general3A_317 {dimension_numbers = #tpu.dot_dimension_numbers<[1], [1], [0], [0], [0, 0, 1, 0], [], []>, transpose_lhs_hint = false} : vector<512x64xbf16>, vector<2048x64xbf16>, vector<512x2048xf32> -> vector<512x2048xf32>
      %mul3A_319 = arith.constant 1.250000e-01 : f32
      %mul3A_320 = vector.broadcast %mul3A_319 : f32 to vector<512x2048xf32>
      %mul3A_321 = arith.mulf %dot_general3A_318, %mul3A_320 : vector<512x2048xf32>
      %exp3A_322 = math.exp %mul3A_321 : vector<512x2048xf32>
      %reduce_sum3A_323 = arith.constant dense<0.000000e+00> : vector<512xf32>
      %reduce_sum3A_324 = vector.multi_reduction <add>, %exp3A_322, %reduce_sum3A_323 [1] : vector<512x2048xf32> to vector<512xf32>
      %broadcast_in_dim3A_325 = vector.shape_cast %reduce_sum3A_324 : vector<512xf32> to vector<512x1xf32>
      %convert_element_type3A_326 = arith.truncf %exp3A_322 : vector<512x2048xf32> to vector<512x2048xbf16>
      %dot_general3A_327 = arith.constant dense<0.000000e+00> : vector<512x64xf32>
      %dot_general3A_328 = tpu.matmul %convert_element_type3A_326, %get3A_315, %dot_general3A_327 {dimension_numbers = #tpu.dot_dimension_numbers<[1], [0], [0], [1], [0, 0, 1, 1], [], []>, transpose_lhs_hint = false} : vector<512x2048xbf16>, vector<2048x64xbf16>, vector<512x64xf32> -> vector<512x64xf32>
      %div3A_329 = vector.broadcast %broadcast_in_dim3A_325 : vector<512x1xf32> to vector<512x64xf32>
      %div3A_330 = arith.divf %dot_general3A_328, %div3A_329 : vector<512x64xf32>
      %slice3A_331 = vector.extract_strided_slice %add3A_48 {offsets = [0, 704], sizes = [512, 64], strides = [1, 1]} : vector<512x768xf32> to vector<512x64xf32>
      %get3A_332 = arith.constant 0 : index
      %get3A_333 = arith.constant 0 : index
      %get3A_334 = arith.constant 704 : index
      %get3A_335 = vector.load %arg17[%get3A_332, %get3A_333, %get3A_334] : memref<2x2048x768xbf16, #tpu.memory_space<vmem>>, vector<1x2048x64xbf16>
      %get3A_336 = vector.shape_cast %get3A_335 : vector<1x2048x64xbf16> to vector<2048x64xbf16>
      %get3A_337 = arith.constant 1 : index
      %get3A_338 = arith.constant 0 : index
      %get3A_339 = arith.constant 704 : index
      %get3A_340 = vector.load %arg17[%get3A_337, %get3A_338, %get3A_339] : memref<2x2048x768xbf16, #tpu.memory_space<vmem>>, vector<1x2048x64xbf16>
      %get3A_341 = vector.shape_cast %get3A_340 : vector<1x2048x64xbf16> to vector<2048x64xbf16>
      %convert_element_type3A_342 = arith.truncf %slice3A_331 : vector<512x64xf32> to vector<512x64xbf16>
      %dot_general3A_343 = arith.constant dense<0.000000e+00> : vector<512x2048xf32>
      %dot_general3A_344 = tpu.matmul %convert_element_type3A_342, %get3A_336, %dot_general3A_343 {dimension_numbers = #tpu.dot_dimension_numbers<[1], [1], [0], [0], [0, 0, 1, 0], [], []>, transpose_lhs_hint = false} : vector<512x64xbf16>, vector<2048x64xbf16>, vector<512x2048xf32> -> vector<512x2048xf32>
      %mul3A_345 = arith.constant 1.250000e-01 : f32
      %mul3A_346 = vector.broadcast %mul3A_345 : f32 to vector<512x2048xf32>
      %mul3A_347 = arith.mulf %dot_general3A_344, %mul3A_346 : vector<512x2048xf32>
      %exp3A_348 = math.exp %mul3A_347 : vector<512x2048xf32>
      %reduce_sum3A_349 = arith.constant dense<0.000000e+00> : vector<512xf32>
      %reduce_sum3A_350 = vector.multi_reduction <add>, %exp3A_348, %reduce_sum3A_349 [1] : vector<512x2048xf32> to vector<512xf32>
      %broadcast_in_dim3A_351 = vector.shape_cast %reduce_sum3A_350 : vector<512xf32> to vector<512x1xf32>
      %convert_element_type3A_352 = arith.truncf %exp3A_348 : vector<512x2048xf32> to vector<512x2048xbf16>
      %dot_general3A_353 = arith.constant dense<0.000000e+00> : vector<512x64xf32>
      %dot_general3A_354 = tpu.matmul %convert_element_type3A_352, %get3A_341, %dot_general3A_353 {dimension_numbers = #tpu.dot_dimension_numbers<[1], [0], [0], [1], [0, 0, 1, 1], [], []>, transpose_lhs_hint = false} : vector<512x2048xbf16>, vector<2048x64xbf16>, vector<512x64xf32> -> vector<512x64xf32>
      %div3A_355 = vector.broadcast %broadcast_in_dim3A_351 : vector<512x1xf32> to vector<512x64xf32>
      %div3A_356 = arith.divf %dot_general3A_354, %div3A_355 : vector<512x64xf32>
      %concatenate3A = tpu.concatenate %div3A_70, %div3A_96, %div3A_122, %div3A_148, %div3A_174, %div3A_200, %div3A_226, %div3A_252, %div3A_278, %div3A_304, %div3A_330, %div3A_356 in 1 : vector<512x64xf32>, vector<512x64xf32>, vector<512x64xf32>, vector<512x64xf32>, vector<512x64xf32>, vector<512x64xf32>, vector<512x64xf32>, vector<512x64xf32>, vector<512x64xf32>, vector<512x64xf32>, vector<512x64xf32>, vector<512x64xf32> -> vector<512x768xf32>
      %get3A_357 = arith.constant 0 : index
      %get3A_358 = arith.constant 0 : index
      %get3A_359 = vector.load %arg4[%get3A_357, %get3A_358] : memref<768x768xf32, #tpu.memory_space<vmem>>, vector<768x768xf32>
      %convert_element_type3A_360 = arith.truncf %concatenate3A : vector<512x768xf32> to vector<512x768xbf16>
      %convert_element_type3A_361 = arith.truncf %get3A_359 : vector<768x768xf32> to vector<768x768xbf16>
      %dot_general3A_362 = arith.constant dense<0.000000e+00> : vector<512x768xf32>
      %dot_general3A_363 = tpu.matmul %convert_element_type3A_360, %convert_element_type3A_361, %dot_general3A_362 {dimension_numbers = #tpu.dot_dimension_numbers<[1], [1], [0], [0], [0, 0, 1, 0], [], []>, transpose_lhs_hint = false} : vector<512x768xbf16>, vector<768x768xbf16>, vector<512x768xf32> -> vector<512x768xf32>
      %add3A_364 = arith.addf %add3A_35, %dot_general3A_363 : vector<512x768xf32>
      %get3A_365 = arith.constant 0 : index
      %get3A_366 = vector.load %arg5[%get3A_365] : memref<768xf32, #tpu.memory_space<vmem>>, vector<768xf32>
      %broadcast_in_dim3A_367 = vector.shape_cast %get3A_366 : vector<768xf32> to vector<1x768xf32>
      %add3A_368 = vector.broadcast %broadcast_in_dim3A_367 : vector<1x768xf32> to vector<512x768xf32>
      %add3A_369 = arith.addf %add3A_364, %add3A_368 : vector<512x768xf32>
      %reduce_sum3A_370 = arith.constant dense<0.000000e+00> : vector<512xf32>
      %reduce_sum3A_371 = vector.multi_reduction <add>, %add3A_369, %reduce_sum3A_370 [1] : vector<512x768xf32> to vector<512xf32>
      %broadcast_in_dim3A_372 = vector.shape_cast %reduce_sum3A_371 : vector<512xf32> to vector<512x1xf32>
      %div3A_373 = arith.constant 7.680000e+02 : f32
      %div3A_374 = vector.broadcast %div3A_373 : f32 to vector<512x1xf32>
      %div3A_375 = arith.divf %broadcast_in_dim3A_372, %div3A_374 : vector<512x1xf32>
      %sub3A_376 = vector.broadcast %div3A_375 : vector<512x1xf32> to vector<512x768xf32>
      %sub3A_377 = arith.subf %add3A_369, %sub3A_376 : vector<512x768xf32>
      %integer_pow3A = arith.mulf %sub3A_377, %sub3A_377 : vector<512x768xf32>
      %reduce_sum3A_378 = arith.constant dense<0.000000e+00> : vector<512xf32>
      %reduce_sum3A_379 = vector.multi_reduction <add>, %integer_pow3A, %reduce_sum3A_378 [1] : vector<512x768xf32> to vector<512xf32>
      %broadcast_in_dim3A_380 = vector.shape_cast %reduce_sum3A_379 : vector<512xf32> to vector<512x1xf32>
      %div3A_381 = arith.constant 7.680000e+02 : f32
      %div3A_382 = vector.broadcast %div3A_381 : f32 to vector<512x1xf32>
      %div3A_383 = arith.divf %broadcast_in_dim3A_380, %div3A_382 : vector<512x1xf32>
      %sub3A_384 = vector.broadcast %div3A_375 : vector<512x1xf32> to vector<512x768xf32>
      %sub3A_385 = arith.subf %add3A_369, %sub3A_384 : vector<512x768xf32>
      %add3A_386 = arith.constant 9.99999974E-6 : f32
      %add3A_387 = vector.broadcast %add3A_386 : f32 to vector<512x1xf32>
      %add3A_388 = arith.addf %div3A_383, %add3A_387 : vector<512x1xf32>
      %rsqrt3A = math.rsqrt %add3A_388 : vector<512x1xf32>
      %mul3A_389 = vector.broadcast %rsqrt3A : vector<512x1xf32> to vector<512x768xf32>
      %mul3A_390 = arith.mulf %sub3A_385, %mul3A_389 : vector<512x768xf32>
      %get3A_391 = arith.constant 0 : index
      %get3A_392 = vector.load %arg6[%get3A_391] : memref<768xf32, #tpu.memory_space<vmem>>, vector<768xf32>
      %broadcast_in_dim3A_393 = vector.shape_cast %get3A_392 : vector<768xf32> to vector<1x768xf32>
      %mul3A_394 = vector.broadcast %broadcast_in_dim3A_393 : vector<1x768xf32> to vector<512x768xf32>
      %mul3A_395 = arith.mulf %mul3A_390, %mul3A_394 : vector<512x768xf32>
      %get3A_396 = arith.constant 0 : index
      %get3A_397 = vector.load %arg7[%get3A_396] : memref<768xf32, #tpu.memory_space<vmem>>, vector<768xf32>
      %broadcast_in_dim3A_398 = vector.shape_cast %get3A_397 : vector<768xf32> to vector<1x768xf32>
      %add3A_399 = vector.broadcast %broadcast_in_dim3A_398 : vector<1x768xf32> to vector<512x768xf32>
      %add3A_400 = arith.addf %mul3A_395, %add3A_399 : vector<512x768xf32>
      %swap3A = arith.constant 0 : index
      %swap3A_401 = arith.constant 0 : index
      %swap3A_402 = vector.load %arg10[%swap3A, %swap3A_401] : memref<512x768xf32, #tpu.memory_space<vmem>>, vector<512x768xf32>
      tpu.vector_store %arg10[%swap3A, %swap3A_401], %add3A_400 {strides = array<i32>} : memref<512x768xf32, #tpu.memory_space<vmem>>, vector<512x768xf32>,
      %get3A_403 = arith.constant 0 : index
      %get3A_404 = arith.constant 0 : index
      %get3A_405 = vector.load %arg8[%get3A_403, %get3A_404] : memref<768x16xf32, #tpu.memory_space<vmem>>, vector<768x16xf32>
      %dot_general3A_406 = arith.constant dense<0.000000e+00> : vector<512x16xf32>
      %dot_general3A_407 = tpu.matmul %add3A_400, %get3A_405, %dot_general3A_406 {dimension_numbers = #tpu.dot_dimension_numbers<[1], [0], [0], [1], [0, 0, 1, 1], [], []>, transpose_lhs_hint = false} : vector<512x768xf32>, vector<768x16xf32>, vector<512x16xf32> -> vector<512x16xf32>
      %get3A_408 = arith.constant 0 : index
      %get3A_409 = vector.load %arg9[%get3A_408] : memref<16xf32, #tpu.memory_space<vmem>>, vector<16xf32>
      %broadcast_in_dim3A_410 = vector.shape_cast %get3A_409 : vector<16xf32> to vector<1x16xf32>
      %add3A_411 = vector.broadcast %broadcast_in_dim3A_410 : vector<1x16xf32> to vector<512x16xf32>
      %add3A_412 = arith.addf %dot_general3A_407, %add3A_411 : vector<512x16xf32>
      %swap3A_413 = arith.constant 0 : index
      %swap3A_414 = arith.constant 0 : index
      %swap3A_415 = vector.load %arg11[%swap3A_413, %swap3A_414] : memref<512x16xf32, #tpu.memory_space<vmem>>, vector<512x16xf32>
      tpu.vector_store %arg11[%swap3A_413, %swap3A_414], %add3A_412 {strides = array<i32>} : memref<512x16xf32, #tpu.memory_space<vmem>>, vector<512x16xf32>,
      %mul3A_416 = arith.constant 512 : i32
      %mul3A_417 = arith.muli %sub3A_27, %mul3A_416 : i32
      %swap3A_418 = arith.index_cast %mul3A_417 : i32 to index
      %swap3A_419 = arith.constant 0 : index
      %swap3A_420 = vector.load %arg18[%swap3A_418, %swap3A_419] : memref<2048x16xf32, #tpu.memory_space<vmem>>, vector<512x16xf32>
      tpu.vector_store %arg18[%swap3A_418, %swap3A_419], %add3A_412 {strides = array<i32>} : memref<2048x16xf32, #tpu.memory_space<vmem>>, vector<512x16xf32>,
    } else {
    }
    %eq3A_22 = arith.constant 4 : i32
    %eq3A_23 = arith.cmpi eq, %arg0, %eq3A_22 : i32
    %convert_element_type3A_24 = arith.extui %eq3A_23 : i1 to i32
    %cond3A_25 = arith.constant 0 : i32
    %cond3A_26 = arith.cmpi ne, %convert_element_type3A_24, %cond3A_25 : i32
    scf.if %cond3A_26 {
      %get3A = arith.constant 0 : index
      %get3A_27 = arith.constant 0 : index
      %get3A_28 = vector.load %arg18[%get3A, %get3A_27] : memref<2048x16xf32, #tpu.memory_space<vmem>>, vector<2048x16xf32>
      %iota3A_29 = tpu.iota {dimensions = array<i32: 1>} : vector<2048x16xi32>
      %reduce_max3A = arith.constant dense<0xFF800000> : vector<2048xf32>
      %reduce_max3A_30 = vector.multi_reduction <maximumf>, %get3A_28, %reduce_max3A [1] : vector<2048x16xf32> to vector<2048xf32>
      %broadcast_in_dim3A = vector.shape_cast %reduce_max3A_30 : vector<2048xf32> to vector<2048x1xf32>
      %eq3A_31 = vector.broadcast %broadcast_in_dim3A : vector<2048x1xf32> to vector<2048x16xf32>
      %eq3A_32 = arith.cmpf oeq, %get3A_28, %eq3A_31 : vector<2048x16xf32>
      %jit3A_33 = arith.constant 16 : i32
      %broadcast_in_dim3A_34 = vector.broadcast %jit3A_33 : i32 to vector<2048x16xi32>
      %select_n3A_35 = arith.select %eq3A_32, %iota3A_29, %broadcast_in_dim3A_34 : vector<2048x16xi1>, vector<2048x16xi32>
      %reduce_min3A = arith.constant dense<2147483647> : vector<2048xi32>
      %reduce_min3A_36 = vector.multi_reduction <minsi>, %select_n3A_35, %reduce_min3A [1] : vector<2048x16xi32> to vector<2048xi32>
      %broadcast_in_dim3A_37 = vector.shape_cast %reduce_min3A_36 : vector<2048xi32> to vector<2048x1xi32>
      %eq3A_38 = vector.broadcast %broadcast_in_dim3A_37 : vector<2048x1xi32> to vector<2048x16xi32>
      %eq3A_39 = arith.cmpi eq, %iota3A_29, %eq3A_38 : vector<2048x16xi32>
      %jit3A_40 = arith.constant -1.000000e+30 : f32
      %broadcast_in_dim3A_41 = vector.broadcast %jit3A_40 : f32 to vector<2048x16xf32>
      %select_n3A_42 = arith.select %eq3A_39, %broadcast_in_dim3A_41, %get3A_28 : vector<2048x16xi1>, vector<2048x16xf32>
      %reduce_max3A_43 = arith.constant dense<0xFF800000> : vector<2048xf32>
      %reduce_max3A_44 = vector.multi_reduction <maximumf>, %select_n3A_42, %reduce_max3A_43 [1] : vector<2048x16xf32> to vector<2048xf32>
      %broadcast_in_dim3A_45 = vector.shape_cast %reduce_max3A_44 : vector<2048xf32> to vector<2048x1xf32>
      %eq3A_46 = vector.broadcast %broadcast_in_dim3A_45 : vector<2048x1xf32> to vector<2048x16xf32>
      %eq3A_47 = arith.cmpf oeq, %select_n3A_42, %eq3A_46 : vector<2048x16xf32>
      %jit3A_48 = arith.constant 16 : i32
      %broadcast_in_dim3A_49 = vector.broadcast %jit3A_48 : i32 to vector<2048x16xi32>
      %select_n3A_50 = arith.select %eq3A_47, %iota3A_29, %broadcast_in_dim3A_49 : vector<2048x16xi1>, vector<2048x16xi32>
      %reduce_min3A_51 = arith.constant dense<2147483647> : vector<2048xi32>
      %reduce_min3A_52 = vector.multi_reduction <minsi>, %select_n3A_50, %reduce_min3A_51 [1] : vector<2048x16xi32> to vector<2048xi32>
      %broadcast_in_dim3A_53 = vector.shape_cast %reduce_min3A_52 : vector<2048xi32> to vector<2048x1xi32>
      %eq3A_54 = vector.broadcast %broadcast_in_dim3A_53 : vector<2048x1xi32> to vector<2048x16xi32>
      %eq3A_55 = arith.cmpi eq, %iota3A_29, %eq3A_54 : vector<2048x16xi32>
      %sub3A = arith.subf %broadcast_in_dim3A, %broadcast_in_dim3A_45 : vector<2048x1xf32>
      %exp3A = math.exp %sub3A : vector<2048x1xf32>
      %add3A_56 = arith.constant 1.000000e+00 : f32
      %add3A_57 = vector.broadcast %add3A_56 : f32 to vector<2048x1xf32>
      %add3A_58 = arith.addf %add3A_57, %exp3A : vector<2048x1xf32>
      %div3A = arith.constant 1.000000e+00 : f32
      %div3A_59 = vector.broadcast %div3A : f32 to vector<2048x1xf32>
      %div3A_60 = arith.divf %div3A_59, %add3A_58 : vector<2048x1xf32>
      %sub3A_61 = arith.constant 1.000000e+00 : f32
      %sub3A_62 = vector.broadcast %sub3A_61 : f32 to vector<2048x1xf32>
      %sub3A_63 = arith.subf %sub3A_62, %div3A_60 : vector<2048x1xf32>
      %convert_element_type3A_64 = arith.extui %eq3A_39 : vector<2048x16xi1> to vector<2048x16xi32>
      %convert_element_type3A_65 = arith.extui %eq3A_55 : vector<2048x16xi1> to vector<2048x16xi32>
      %add3A_66 = arith.addi %convert_element_type3A_64, %convert_element_type3A_65 : vector<2048x16xi32>
      %broadcast_in_dim3A_67 = arith.constant 0 : i32
      %broadcast_in_dim3A_68 = vector.broadcast %broadcast_in_dim3A_67 : i32 to vector<1x16xi32>
      %slice3A = vector.extract_strided_slice %add3A_66 {offsets = [0, 0], sizes = [2047, 16], strides = [1, 1]} : vector<2048x16xi32> to vector<2047x16xi32>
      %concatenate3A = tpu.concatenate %broadcast_in_dim3A_68, %slice3A in 0 : vector<1x16xi32>, vector<2047x16xi32> -> vector<2048x16xi32>
      %add3A_69 = arith.addi %add3A_66, %concatenate3A : vector<2048x16xi32>
      %broadcast_in_dim3A_70 = arith.constant 0 : i32
      %broadcast_in_dim3A_71 = vector.broadcast %broadcast_in_dim3A_70 : i32 to vector<2x16xi32>
      %slice3A_72 = vector.extract_strided_slice %add3A_69 {offsets = [0, 0], sizes = [2046, 16], strides = [1, 1]} : vector<2048x16xi32> to vector<2046x16xi32>
      %concatenate3A_73 = tpu.concatenate %broadcast_in_dim3A_71, %slice3A_72 in 0 : vector<2x16xi32>, vector<2046x16xi32> -> vector<2048x16xi32>
      %add3A_74 = arith.addi %add3A_69, %concatenate3A_73 : vector<2048x16xi32>
      %broadcast_in_dim3A_75 = arith.constant 0 : i32
      %broadcast_in_dim3A_76 = vector.broadcast %broadcast_in_dim3A_75 : i32 to vector<4x16xi32>
      %slice3A_77 = vector.extract_strided_slice %add3A_74 {offsets = [0, 0], sizes = [2044, 16], strides = [1, 1]} : vector<2048x16xi32> to vector<2044x16xi32>
      %concatenate3A_78 = tpu.concatenate %broadcast_in_dim3A_76, %slice3A_77 in 0 : vector<4x16xi32>, vector<2044x16xi32> -> vector<2048x16xi32>
      %add3A_79 = arith.addi %add3A_74, %concatenate3A_78 : vector<2048x16xi32>
      %broadcast_in_dim3A_80 = arith.constant 0 : i32
      %broadcast_in_dim3A_81 = vector.broadcast %broadcast_in_dim3A_80 : i32 to vector<8x16xi32>
      %slice3A_82 = vector.extract_strided_slice %add3A_79 {offsets = [0, 0], sizes = [2040, 16], strides = [1, 1]} : vector<2048x16xi32> to vector<2040x16xi32>
      %concatenate3A_83 = tpu.concatenate %broadcast_in_dim3A_81, %slice3A_82 in 0 : vector<8x16xi32>, vector<2040x16xi32> -> vector<2048x16xi32>
      %add3A_84 = arith.addi %add3A_79, %concatenate3A_83 : vector<2048x16xi32>
      %broadcast_in_dim3A_85 = arith.constant 0 : i32
      %broadcast_in_dim3A_86 = vector.broadcast %broadcast_in_dim3A_85 : i32 to vector<16x16xi32>
      %slice3A_87 = vector.extract_strided_slice %add3A_84 {offsets = [0, 0], sizes = [2032, 16], strides = [1, 1]} : vector<2048x16xi32> to vector<2032x16xi32>
      %concatenate3A_88 = tpu.concatenate %broadcast_in_dim3A_86, %slice3A_87 in 0 : vector<16x16xi32>, vector<2032x16xi32> -> vector<2048x16xi32>
      %add3A_89 = arith.addi %add3A_84, %concatenate3A_88 : vector<2048x16xi32>
      %broadcast_in_dim3A_90 = arith.constant 0 : i32
      %broadcast_in_dim3A_91 = vector.broadcast %broadcast_in_dim3A_90 : i32 to vector<32x16xi32>
      %slice3A_92 = vector.extract_strided_slice %add3A_89 {offsets = [0, 0], sizes = [2016, 16], strides = [1, 1]} : vector<2048x16xi32> to vector<2016x16xi32>
      %concatenate3A_93 = tpu.concatenate %broadcast_in_dim3A_91, %slice3A_92 in 0 : vector<32x16xi32>, vector<2016x16xi32> -> vector<2048x16xi32>
      %add3A_94 = arith.addi %add3A_89, %concatenate3A_93 : vector<2048x16xi32>
      %broadcast_in_dim3A_95 = arith.constant 0 : i32
      %broadcast_in_dim3A_96 = vector.broadcast %broadcast_in_dim3A_95 : i32 to vector<64x16xi32>
      %slice3A_97 = vector.extract_strided_slice %add3A_94 {offsets = [0, 0], sizes = [1984, 16], strides = [1, 1]} : vector<2048x16xi32> to vector<1984x16xi32>
      %concatenate3A_98 = tpu.concatenate %broadcast_in_dim3A_96, %slice3A_97 in 0 : vector<64x16xi32>, vector<1984x16xi32> -> vector<2048x16xi32>
      %add3A_99 = arith.addi %add3A_94, %concatenate3A_98 : vector<2048x16xi32>
      %broadcast_in_dim3A_100 = arith.constant 0 : i32
      %broadcast_in_dim3A_101 = vector.broadcast %broadcast_in_dim3A_100 : i32 to vector<128x16xi32>
      %slice3A_102 = vector.extract_strided_slice %add3A_99 {offsets = [0, 0], sizes = [1920, 16], strides = [1, 1]} : vector<2048x16xi32> to vector<1920x16xi32>
      %concatenate3A_103 = tpu.concatenate %broadcast_in_dim3A_101, %slice3A_102 in 0 : vector<128x16xi32>, vector<1920x16xi32> -> vector<2048x16xi32>
      %add3A_104 = arith.addi %add3A_99, %concatenate3A_103 : vector<2048x16xi32>
      %broadcast_in_dim3A_105 = arith.constant 0 : i32
      %broadcast_in_dim3A_106 = vector.broadcast %broadcast_in_dim3A_105 : i32 to vector<256x16xi32>
      %slice3A_107 = vector.extract_strided_slice %add3A_104 {offsets = [0, 0], sizes = [1792, 16], strides = [1, 1]} : vector<2048x16xi32> to vector<1792x16xi32>
      %concatenate3A_108 = tpu.concatenate %broadcast_in_dim3A_106, %slice3A_107 in 0 : vector<256x16xi32>, vector<1792x16xi32> -> vector<2048x16xi32>
      %add3A_109 = arith.addi %add3A_104, %concatenate3A_108 : vector<2048x16xi32>
      %broadcast_in_dim3A_110 = arith.constant 0 : i32
      %broadcast_in_dim3A_111 = vector.broadcast %broadcast_in_dim3A_110 : i32 to vector<512x16xi32>
      %slice3A_112 = vector.extract_strided_slice %add3A_109 {offsets = [0, 0], sizes = [1536, 16], strides = [1, 1]} : vector<2048x16xi32> to vector<1536x16xi32>
      %concatenate3A_113 = tpu.concatenate %broadcast_in_dim3A_111, %slice3A_112 in 0 : vector<512x16xi32>, vector<1536x16xi32> -> vector<2048x16xi32>
      %add3A_114 = arith.addi %add3A_109, %concatenate3A_113 : vector<2048x16xi32>
      %broadcast_in_dim3A_115 = arith.constant 0 : i32
      %broadcast_in_dim3A_116 = vector.broadcast %broadcast_in_dim3A_115 : i32 to vector<1024x16xi32>
      %slice3A_117 = vector.extract_strided_slice %add3A_114 {offsets = [0, 0], sizes = [1024, 16], strides = [1, 1]} : vector<2048x16xi32> to vector<1024x16xi32>
      %concatenate3A_118 = tpu.concatenate %broadcast_in_dim3A_116, %slice3A_117 in 0 : vector<1024x16xi32>, vector<1024x16xi32> -> vector<2048x16xi32>
      %add3A_119 = arith.addi %add3A_114, %concatenate3A_118 : vector<2048x16xi32>
      %sub3A_120 = arith.subi %add3A_119, %add3A_66 : vector<2048x16xi32>
      %jit3A_121 = arith.constant 0 : i32
      %broadcast_in_dim3A_122 = vector.broadcast %jit3A_121 : i32 to vector<2048x16xi32>
      %select_n3A_123 = arith.select %eq3A_39, %sub3A_120, %broadcast_in_dim3A_122 : vector<2048x16xi1>, vector<2048x16xi32>
      %reduce_sum3A = arith.constant dense<0> : vector<2048xi32>
      %reduce_sum3A_124 = vector.multi_reduction <add>, %select_n3A_123, %reduce_sum3A [1] : vector<2048x16xi32> to vector<2048xi32>
      %broadcast_in_dim3A_125 = vector.shape_cast %reduce_sum3A_124 : vector<2048xi32> to vector<2048x1xi32>
      %jit3A_126 = arith.constant 0 : i32
      %broadcast_in_dim3A_127 = vector.broadcast %jit3A_126 : i32 to vector<2048x16xi32>
      %select_n3A_128 = arith.select %eq3A_55, %sub3A_120, %broadcast_in_dim3A_127 : vector<2048x16xi1>, vector<2048x16xi32>
      %reduce_sum3A_129 = arith.constant dense<0> : vector<2048xi32>
      %reduce_sum3A_130 = vector.multi_reduction <add>, %select_n3A_128, %reduce_sum3A_129 [1] : vector<2048x16xi32> to vector<2048xi32>
      %broadcast_in_dim3A_131 = vector.shape_cast %reduce_sum3A_130 : vector<2048xi32> to vector<2048x1xi32>
      %lt3A_132 = arith.constant 320 : i32
      %lt3A_133 = vector.broadcast %lt3A_132 : i32 to vector<2048x1xi32>
      %lt3A_134 = arith.cmpi slt, %broadcast_in_dim3A_125, %lt3A_133 : vector<2048x1xi32>
      %lt3A_135 = arith.constant 320 : i32
      %lt3A_136 = vector.broadcast %lt3A_135 : i32 to vector<2048x1xi32>
      %lt3A_137 = arith.cmpi slt, %broadcast_in_dim3A_131, %lt3A_136 : vector<2048x1xi32>
      %mul3A = arith.constant 320 : i32
      %mul3A_138 = vector.broadcast %mul3A : i32 to vector<2048x1xi32>
      %mul3A_139 = arith.muli %broadcast_in_dim3A_37, %mul3A_138 : vector<2048x1xi32>
      %add3A_140 = arith.addi %mul3A_139, %broadcast_in_dim3A_125 : vector<2048x1xi32>
      %mul3A_141 = arith.constant 320 : i32
      %mul3A_142 = vector.broadcast %mul3A_141 : i32 to vector<2048x1xi32>
      %mul3A_143 = arith.muli %broadcast_in_dim3A_53, %mul3A_142 : vector<2048x1xi32>
      %add3A_144 = arith.addi %mul3A_143, %broadcast_in_dim3A_131 : vector<2048x1xi32>
      %iota3A_145 = tpu.iota {dimensions = array<i32: 0>} : vector<2048x1xi32>
      %and3A_146 = arith.constant 255 : i32
      %and3A_147 = vector.broadcast %and3A_146 : i32 to vector<2048x1xi32>
      %and3A_148 = arith.andi %iota3A_145, %and3A_147 : vector<2048x1xi32>
      %add3A_149 = arith.constant 5120 : i32
      %add3A_150 = vector.broadcast %add3A_149 : i32 to vector<2048x1xi32>
      %add3A_151 = arith.addi %add3A_150, %and3A_148 : vector<2048x1xi32>
      %select_n3A_152 = arith.select %lt3A_134, %add3A_140, %add3A_151 : vector<2048x1xi1>, vector<2048x1xi32>
      %and3A_153 = arith.constant 255 : i32
      %and3A_154 = vector.broadcast %and3A_153 : i32 to vector<2048x1xi32>
      %and3A_155 = arith.andi %iota3A_145, %and3A_154 : vector<2048x1xi32>
      %add3A_156 = arith.constant 5376 : i32
      %add3A_157 = vector.broadcast %add3A_156 : i32 to vector<2048x1xi32>
      %add3A_158 = arith.addi %add3A_157, %and3A_155 : vector<2048x1xi32>
      %select_n3A_159 = arith.select %lt3A_137, %add3A_144, %add3A_158 : vector<2048x1xi1>, vector<2048x1xi32>
      %slice3A_160 = vector.extract_strided_slice %add3A_140 {offsets = [0, 0], sizes = [1, 1], strides = [1, 1]} : vector<2048x1xi32> to vector<1x1xi32>
      %broadcast_in_dim3A_161 = vector.shape_cast %slice3A_160 : vector<1x1xi32> to vector<1x1xi32>
      %broadcast_in_dim3A_162 = vector.broadcast %broadcast_in_dim3A_161 : vector<1x1xi32> to vector<2048x1xi32>
      %select_n3A_163 = arith.select %lt3A_134, %add3A_140, %broadcast_in_dim3A_162 : vector<2048x1xi1>, vector<2048x1xi32>
      %broadcast_in_dim3A_164 = vector.shape_cast %slice3A_160 : vector<1x1xi32> to vector<1x1xi32>
      %broadcast_in_dim3A_165 = vector.broadcast %broadcast_in_dim3A_164 : vector<1x1xi32> to vector<2048x1xi32>
      %select_n3A_166 = arith.select %lt3A_137, %add3A_144, %broadcast_in_dim3A_165 : vector<2048x1xi1>, vector<2048x1xi32>
      %reshape3A = vector.shape_cast %select_n3A_152 : vector<2048x1xi32> to vector<2048xi32>
      %swap3A = arith.constant 0 : index
      %swap3A_167 = vector.load %arg12[%swap3A] : memref<2048xi32, #tpu.memory_space<vmem>>, vector<2048xi32>
      tpu.vector_store %arg12[%swap3A], %reshape3A {strides = array<i32>} : memref<2048xi32, #tpu.memory_space<vmem>>, vector<2048xi32>,
      %reshape3A_168 = vector.shape_cast %select_n3A_159 : vector<2048x1xi32> to vector<2048xi32>
      %swap3A_169 = arith.constant 0 : index
      %swap3A_170 = vector.load %arg13[%swap3A_169] : memref<2048xi32, #tpu.memory_space<vmem>>, vector<2048xi32>
      tpu.vector_store %arg13[%swap3A_169], %reshape3A_168 {strides = array<i32>} : memref<2048xi32, #tpu.memory_space<vmem>>, vector<2048xi32>,
      %reshape3A_171 = vector.shape_cast %select_n3A_163 : vector<2048x1xi32> to vector<2048xi32>
      %swap3A_172 = arith.constant 0 : index
      %swap3A_173 = vector.load %arg14[%swap3A_172] : memref<2048xi32, #tpu.memory_space<vmem>>, vector<2048xi32>
      tpu.vector_store %arg14[%swap3A_172], %reshape3A_171 {strides = array<i32>} : memref<2048xi32, #tpu.memory_space<vmem>>, vector<2048xi32>,
      %reshape3A_174 = vector.shape_cast %select_n3A_166 : vector<2048x1xi32> to vector<2048xi32>
      %swap3A_175 = arith.constant 0 : index
      %swap3A_176 = vector.load %arg15[%swap3A_175] : memref<2048xi32, #tpu.memory_space<vmem>>, vector<2048xi32>
      tpu.vector_store %arg15[%swap3A_175], %reshape3A_174 {strides = array<i32>} : memref<2048xi32, #tpu.memory_space<vmem>>, vector<2048xi32>,
      %jit3A_177 = arith.constant 0.000000e+00 : f32
      %broadcast_in_dim3A_178 = vector.broadcast %jit3A_177 : f32 to vector<2048x1xf32>
      %select_n3A_179 = arith.select %lt3A_134, %sub3A_63, %broadcast_in_dim3A_178 : vector<2048x1xi1>, vector<2048x1xf32>
      %jit3A_180 = arith.constant 0.000000e+00 : f32
      %broadcast_in_dim3A_181 = vector.broadcast %jit3A_180 : f32 to vector<2048x1xf32>
      %select_n3A_182 = arith.select %lt3A_137, %div3A_60, %broadcast_in_dim3A_181 : vector<2048x1xi1>, vector<2048x1xf32>
      %concatenate3A_183 = tpu.concatenate %select_n3A_179, %select_n3A_182, %select_n3A_179, %select_n3A_179, %select_n3A_179, %select_n3A_179, %select_n3A_179, %select_n3A_179 in 1 : vector<2048x1xf32>, vector<2048x1xf32>, vector<2048x1xf32>, vector<2048x1xf32>, vector<2048x1xf32>, vector<2048x1xf32>, vector<2048x1xf32>, vector<2048x1xf32> -> vector<2048x8xf32>
      %swap3A_184 = arith.constant 0 : index
      %swap3A_185 = arith.constant 0 : index
      %swap3A_186 = vector.load %arg16[%swap3A_184, %swap3A_185] : memref<2048x8xf32, #tpu.memory_space<vmem>>, vector<2048x8xf32>
      tpu.vector_store %arg16[%swap3A_184, %swap3A_185], %concatenate3A_183 {strides = array<i32>} : memref<2048x8xf32, #tpu.memory_space<vmem>>, vector<2048x8xf32>,
    } else {
    }
    return
  }
  func.func @transform_0(%arg0: i32) -> (i32, i32) {
    %c0_i32 = arith.constant 0 : i32
    %c0_i32_0 = arith.constant 0 : i32
    %c0_i32_1 = arith.constant 0 : i32
    return %c0_i32, %c0_i32_0 : i32, i32
  }
  func.func @transform_1(%arg0: i32) -> (i32, i32) {
    %c0_i32 = arith.constant 0 : i32
    %c0_i32_0 = arith.constant 0 : i32
    %c0_i32_1 = arith.constant 0 : i32
    return %c0_i32, %c0_i32_0 : i32, i32
  }
  func.func @transform_2(%arg0: i32) -> (i32, i32, i32) {
    %c0_i32 = arith.constant 0 : i32
    %c0_i32_0 = arith.constant 0 : i32
    %c0_i32_1 = arith.constant 0 : i32
    %c0_i32_2 = arith.constant 0 : i32
    return %c0_i32, %c0_i32_0, %c0_i32_1 : i32, i32, i32
  }
  func.func @transform_3(%arg0: i32) -> (i32, i32) {
    %c0_i32 = arith.constant 0 : i32
    %c0_i32_0 = arith.constant 0 : i32
    %c0_i32_1 = arith.constant 0 : i32
    return %c0_i32, %c0_i32_0 : i32, i32
  }
  func.func @transform_4(%arg0: i32) -> i32 {
    %c0_i32 = arith.constant 0 : i32
    %c0_i32_0 = arith.constant 0 : i32
    return %c0_i32 : i32
  }
  func.func @transform_5(%arg0: i32) -> i32 {
    %c0_i32 = arith.constant 0 : i32
    %c0_i32_0 = arith.constant 0 : i32
    return %c0_i32 : i32
  }
  func.func @transform_6(%arg0: i32) -> i32 {
    %c0_i32 = arith.constant 0 : i32
    %c0_i32_0 = arith.constant 0 : i32
    return %c0_i32 : i32
  }
  func.func @transform_7(%arg0: i32) -> (i32, i32) {
    %c0_i32 = arith.constant 0 : i32
    %c0_i32_0 = arith.constant 0 : i32
    %c0_i32_1 = arith.constant 0 : i32
    return %c0_i32, %c0_i32_0 : i32, i32
  }
  func.func @transform_8(%arg0: i32) -> i32 {
    %c0_i32 = arith.constant 0 : i32
    %c0_i32_0 = arith.constant 0 : i32
    return %c0_i32 : i32
  }
  func.func @transform_9(%arg0: i32) -> (i32, i32) {
    %sub3A = arith.constant 1 : i32
    %sub3A_0 = arith.subi %arg0, %sub3A : i32
    %max3A = arith.constant 0 : i32
    %max3A_1 = arith.maxsi %sub3A_0, %max3A : i32
    %c0_i32 = arith.constant 0 : i32
    %c0_i32_2 = arith.constant 0 : i32
    return %max3A_1, %c0_i32 : i32, i32
  }
  func.func @transform_10(%arg0: i32) -> (i32, i32) {
    %sub3A = arith.constant 1 : i32
    %sub3A_0 = arith.subi %arg0, %sub3A : i32
    %max3A = arith.constant 0 : i32
    %max3A_1 = arith.maxsi %sub3A_0, %max3A : i32
    %c0_i32 = arith.constant 0 : i32
    %c0_i32_2 = arith.constant 0 : i32
    return %max3A_1, %c0_i32 : i32, i32
  }
  func.func @transform_11(%arg0: i32) -> i32 {
    %c0_i32 = arith.constant 0 : i32
    %c0_i32_0 = arith.constant 0 : i32
    return %c0_i32 : i32
  }
  func.func @transform_12(%arg0: i32) -> i32 {
    %c0_i32 = arith.constant 0 : i32
    %c0_i32_0 = arith.constant 0 : i32
    return %c0_i32 : i32
  }
  func.func @transform_13(%arg0: i32) -> i32 {
    %c0_i32 = arith.constant 0 : i32
    %c0_i32_0 = arith.constant 0 : i32
    return %c0_i32 : i32
  }
  func.func @transform_14(%arg0: i32) -> i32 {
    %c0_i32 = arith.constant 0 : i32
    %c0_i32_0 = arith.constant 0 : i32
    return %c0_i32 : i32
  }
  func.func @transform_15(%arg0: i32) -> (i32, i32) {
    %c0_i32 = arith.constant 0 : i32
    %c0_i32_0 = arith.constant 0 : i32
    %c0_i32_1 = arith.constant 0 : i32
    return %c0_i32, %c0_i32_0 : i32, i32
  }
}

module attributes {stable_mosaic.version = 14 : i64} {
  func.func @body(%arg0: i32, %arg1: i32, %arg2: memref<320x768xf32, #tpu.memory_space<vmem>>, %arg3: memref<1x768x1024xf32, #tpu.memory_space<vmem>>, %arg4: memref<1x1x1024xf32, #tpu.memory_space<vmem>>, %arg5: memref<1x1024x768xf32, #tpu.memory_space<vmem>>, %arg6: memref<1x1x768xf32, #tpu.memory_space<vmem>>, %arg7: memref<320x768xf32, #tpu.memory_space<vmem>>, %arg8: memref<320x768xf32, #tpu.memory_space<vmem>>) attributes {dimension_semantics = [#tpu.dimension_semantics<arbitrary>, #tpu.dimension_semantics<arbitrary>], iteration_bounds = array<i64: 16, 2>, scalar_prefetch = 0 : i64, scratch_operands = 1 : i64, tpu.core_type = #tpu.core_type<tc>, window_params = [{transform_indices = @transform_0, window_bounds = array<i64: 320, 768>}, {transform_indices = @transform_1, window_bounds = array<i64: 1, 768, 1024>}, {transform_indices = @transform_2, window_bounds = array<i64: 1, 1, 1024>}, {transform_indices = @transform_3, window_bounds = array<i64: 1, 1024, 768>}, {transform_indices = @transform_4, window_bounds = array<i64: 1, 1, 768>}, {transform_indices = @transform_5, window_bounds = array<i64: 320, 768>}]} {
    %get3A = arith.constant 0 : index
    %get3A_0 = arith.constant 0 : index
    %get3A_1 = vector.load %arg2[%get3A, %get3A_0] : memref<320x768xf32, #tpu.memory_space<vmem>>, vector<320x768xf32>
    %get3A_2 = arith.constant 0 : index
    %get3A_3 = arith.constant 0 : index
    %get3A_4 = arith.constant 0 : index
    %get3A_5 = vector.load %arg3[%get3A_2, %get3A_3, %get3A_4] : memref<1x768x1024xf32, #tpu.memory_space<vmem>>, vector<1x768x1024xf32>
    %squeeze3A = vector.shape_cast %get3A_5 : vector<1x768x1024xf32> to vector<768x1024xf32>
    %convert_element_type3A = arith.truncf %get3A_1 : vector<320x768xf32> to vector<320x768xbf16>
    %convert_element_type3A_6 = arith.truncf %squeeze3A : vector<768x1024xf32> to vector<768x1024xbf16>
    %dot_general3A = arith.constant dense<0.000000e+00> : vector<320x1024xf32>
    %dot_general3A_7 = tpu.matmul %convert_element_type3A, %convert_element_type3A_6, %dot_general3A {dimension_numbers = #tpu.dot_dimension_numbers<[1], [0], [0], [1], [0, 0, 1, 1], [], []>, transpose_lhs_hint = false} : vector<320x768xbf16>, vector<768x1024xbf16>, vector<320x1024xf32> -> vector<320x1024xf32>
    %get3A_8 = arith.constant 0 : index
    %get3A_9 = arith.constant 0 : index
    %get3A_10 = arith.constant 0 : index
    %get3A_11 = vector.load %arg4[%get3A_8, %get3A_9, %get3A_10] : memref<1x1x1024xf32, #tpu.memory_space<vmem>>, vector<1x1x1024xf32>
    %get3A_12 = vector.shape_cast %get3A_11 : vector<1x1x1024xf32> to vector<1x1024xf32>
    %add3A = vector.broadcast %get3A_12 : vector<1x1024xf32> to vector<320x1024xf32>
    %add3A_13 = arith.addf %dot_general3A_7, %add3A : vector<320x1024xf32>
    %max3A = arith.constant 0.000000e+00 : f32
    %max3A_14 = vector.broadcast %max3A : f32 to vector<320x1024xf32>
    %max3A_15 = arith.maximumf %add3A_13, %max3A_14 : vector<320x1024xf32>
    %get3A_16 = arith.constant 0 : index
    %get3A_17 = arith.constant 0 : index
    %get3A_18 = arith.constant 0 : index
    %get3A_19 = vector.load %arg5[%get3A_16, %get3A_17, %get3A_18] : memref<1x1024x768xf32, #tpu.memory_space<vmem>>, vector<1x1024x768xf32>
    %squeeze3A_20 = vector.shape_cast %get3A_19 : vector<1x1024x768xf32> to vector<1024x768xf32>
    %convert_element_type3A_21 = arith.truncf %max3A_15 : vector<320x1024xf32> to vector<320x1024xbf16>
    %convert_element_type3A_22 = arith.truncf %squeeze3A_20 : vector<1024x768xf32> to vector<1024x768xbf16>
    %dot_general3A_23 = arith.constant dense<0.000000e+00> : vector<320x768xf32>
    %dot_general3A_24 = tpu.matmul %convert_element_type3A_21, %convert_element_type3A_22, %dot_general3A_23 {dimension_numbers = #tpu.dot_dimension_numbers<[1], [0], [0], [1], [0, 0, 1, 1], [], []>, transpose_lhs_hint = false} : vector<320x1024xbf16>, vector<1024x768xbf16>, vector<320x768xf32> -> vector<320x768xf32>
    %eq3A = arith.constant 0 : i32
    %eq3A_25 = arith.cmpi eq, %arg1, %eq3A : i32
    %convert_element_type3A_26 = arith.extui %eq3A_25 : i1 to i32
    %cond3A = arith.constant 0 : i32
    %cond3A_27 = arith.cmpi ne, %convert_element_type3A_26, %cond3A : i32
    scf.if %cond3A_27 {
      %swap3A = arith.constant 0 : index
      %swap3A_37 = arith.constant 0 : index
      %swap3A_38 = vector.load %arg8[%swap3A, %swap3A_37] : memref<320x768xf32, #tpu.memory_space<vmem>>, vector<320x768xf32>
      tpu.vector_store %arg8[%swap3A, %swap3A_37], %dot_general3A_24 {strides = array<i32>} : memref<320x768xf32, #tpu.memory_space<vmem>>, vector<320x768xf32>,
    } else {
    }
    %gt3A = arith.constant 0 : i32
    %gt3A_28 = arith.cmpi sgt, %arg1, %gt3A : i32
    %convert_element_type3A_29 = arith.extui %gt3A_28 : i1 to i32
    %cond3A_30 = arith.constant 0 : i32
    %cond3A_31 = arith.cmpi ne, %convert_element_type3A_29, %cond3A_30 : i32
    scf.if %cond3A_31 {
      %get3A_37 = arith.constant 0 : index
      %get3A_38 = arith.constant 0 : index
      %get3A_39 = vector.load %arg8[%get3A_37, %get3A_38] : memref<320x768xf32, #tpu.memory_space<vmem>>, vector<320x768xf32>
      %add3A_40 = arith.addf %get3A_39, %dot_general3A_24 : vector<320x768xf32>
      %swap3A = arith.constant 0 : index
      %swap3A_41 = arith.constant 0 : index
      %swap3A_42 = vector.load %arg8[%swap3A, %swap3A_41] : memref<320x768xf32, #tpu.memory_space<vmem>>, vector<320x768xf32>
      tpu.vector_store %arg8[%swap3A, %swap3A_41], %add3A_40 {strides = array<i32>} : memref<320x768xf32, #tpu.memory_space<vmem>>, vector<320x768xf32>,
    } else {
    }
    %eq3A_32 = arith.constant 1 : i32
    %eq3A_33 = arith.cmpi eq, %arg1, %eq3A_32 : i32
    %convert_element_type3A_34 = arith.extui %eq3A_33 : i1 to i32
    %cond3A_35 = arith.constant 0 : i32
    %cond3A_36 = arith.cmpi ne, %convert_element_type3A_34, %cond3A_35 : i32
    scf.if %cond3A_36 {
      %get3A_37 = arith.constant 0 : index
      %get3A_38 = arith.constant 0 : index
      %get3A_39 = vector.load %arg8[%get3A_37, %get3A_38] : memref<320x768xf32, #tpu.memory_space<vmem>>, vector<320x768xf32>
      %get3A_40 = arith.constant 0 : index
      %get3A_41 = arith.constant 0 : index
      %get3A_42 = arith.constant 0 : index
      %get3A_43 = vector.load %arg6[%get3A_40, %get3A_41, %get3A_42] : memref<1x1x768xf32, #tpu.memory_space<vmem>>, vector<1x1x768xf32>
      %get3A_44 = vector.shape_cast %get3A_43 : vector<1x1x768xf32> to vector<1x768xf32>
      %add3A_45 = vector.broadcast %get3A_44 : vector<1x768xf32> to vector<320x768xf32>
      %add3A_46 = arith.addf %get3A_39, %add3A_45 : vector<320x768xf32>
      %swap3A = arith.constant 0 : index
      %swap3A_47 = arith.constant 0 : index
      %swap3A_48 = vector.load %arg7[%swap3A, %swap3A_47] : memref<320x768xf32, #tpu.memory_space<vmem>>, vector<320x768xf32>
      tpu.vector_store %arg7[%swap3A, %swap3A_47], %add3A_46 {strides = array<i32>} : memref<320x768xf32, #tpu.memory_space<vmem>>, vector<320x768xf32>,
    } else {
    }
    return
  }
  func.func @transform_0(%arg0: i32, %arg1: i32) -> (i32, i32) {
    %c0_i32 = arith.constant 0 : i32
    %c0_i32_0 = arith.constant 0 : i32
    return %arg0, %c0_i32 : i32, i32
  }
  func.func @transform_1(%arg0: i32, %arg1: i32) -> (i32, i32, i32) {
    %c0_i32 = arith.constant 0 : i32
    %c0_i32_0 = arith.constant 0 : i32
    return %arg0, %c0_i32, %arg1 : i32, i32, i32
  }
  func.func @transform_2(%arg0: i32, %arg1: i32) -> (i32, i32, i32) {
    %c0_i32 = arith.constant 0 : i32
    %c0_i32_0 = arith.constant 0 : i32
    return %arg0, %c0_i32, %arg1 : i32, i32, i32
  }
  func.func @transform_3(%arg0: i32, %arg1: i32) -> (i32, i32, i32) {
    %c0_i32 = arith.constant 0 : i32
    %c0_i32_0 = arith.constant 0 : i32
    return %arg0, %arg1, %c0_i32 : i32, i32, i32
  }
  func.func @transform_4(%arg0: i32, %arg1: i32) -> (i32, i32, i32) {
    %c0_i32 = arith.constant 0 : i32
    %c0_i32_0 = arith.constant 0 : i32
    %c0_i32_1 = arith.constant 0 : i32
    return %arg0, %c0_i32, %c0_i32_0 : i32, i32, i32
  }
  func.func @transform_5(%arg0: i32, %arg1: i32) -> (i32, i32) {
    %c0_i32 = arith.constant 0 : i32
    %c0_i32_0 = arith.constant 0 : i32
    return %arg0, %c0_i32 : i32, i32
  }
}

module attributes {stable_mosaic.version = 14 : i64} {
  func.func @body(%arg0: memref<2048x768xf32, #tpu.memory_space<vmem>>, %arg1: memref<2048x768xf32, #tpu.memory_space<vmem>>, %arg2: memref<2048x768xf32, #tpu.memory_space<vmem>>, %arg3: memref<2048x8xf32, #tpu.memory_space<vmem>>, %arg4: memref<768xf32, #tpu.memory_space<vmem>>, %arg5: memref<768xf32, #tpu.memory_space<vmem>>, %arg6: memref<768x16xf32, #tpu.memory_space<vmem>>, %arg7: memref<16xf32, #tpu.memory_space<vmem>>, %arg8: memref<1x16xf32, #tpu.memory_space<vmem>>) attributes {dimension_semantics = [], scalar_prefetch = 0 : i64, scratch_operands = 0 : i64, tpu.core_type = #tpu.core_type<tc>} {
    %get3A = arith.constant 0 : index
    %get3A_0 = arith.constant 0 : index
    %get3A_1 = vector.load %arg3[%get3A, %get3A_0] : memref<2048x8xf32, #tpu.memory_space<vmem>>, vector<2048x1xf32>
    %get3A_2 = arith.constant 0 : index
    %get3A_3 = arith.constant 1 : index
    %get3A_4 = vector.load %arg3[%get3A_2, %get3A_3] : memref<2048x8xf32, #tpu.memory_space<vmem>>, vector<2048x1xf32>
    %get3A_5 = arith.constant 0 : index
    %get3A_6 = arith.constant 0 : index
    %get3A_7 = vector.load %arg0[%get3A_5, %get3A_6] : memref<2048x768xf32, #tpu.memory_space<vmem>>, vector<2048x768xf32>
    %get3A_8 = arith.constant 0 : index
    %get3A_9 = arith.constant 0 : index
    %get3A_10 = vector.load %arg1[%get3A_8, %get3A_9] : memref<2048x768xf32, #tpu.memory_space<vmem>>, vector<2048x768xf32>
    %mul3A = vector.broadcast %get3A_1 : vector<2048x1xf32> to vector<2048x768xf32>
    %mul3A_11 = arith.mulf %mul3A, %get3A_10 : vector<2048x768xf32>
    %add3A = arith.addf %get3A_7, %mul3A_11 : vector<2048x768xf32>
    %get3A_12 = arith.constant 0 : index
    %get3A_13 = arith.constant 0 : index
    %get3A_14 = vector.load %arg2[%get3A_12, %get3A_13] : memref<2048x768xf32, #tpu.memory_space<vmem>>, vector<2048x768xf32>
    %mul3A_15 = vector.broadcast %get3A_4 : vector<2048x1xf32> to vector<2048x768xf32>
    %mul3A_16 = arith.mulf %mul3A_15, %get3A_14 : vector<2048x768xf32>
    %add3A_17 = arith.addf %add3A, %mul3A_16 : vector<2048x768xf32>
    %reduce_sum3A = arith.constant dense<0.000000e+00> : vector<2048xf32>
    %reduce_sum3A_18 = vector.multi_reduction <add>, %add3A_17, %reduce_sum3A [1] : vector<2048x768xf32> to vector<2048xf32>
    %broadcast_in_dim3A = vector.shape_cast %reduce_sum3A_18 : vector<2048xf32> to vector<2048x1xf32>
    %div3A = arith.constant 7.680000e+02 : f32
    %div3A_19 = vector.broadcast %div3A : f32 to vector<2048x1xf32>
    %div3A_20 = arith.divf %broadcast_in_dim3A, %div3A_19 : vector<2048x1xf32>
    %sub3A = vector.broadcast %div3A_20 : vector<2048x1xf32> to vector<2048x768xf32>
    %sub3A_21 = arith.subf %add3A_17, %sub3A : vector<2048x768xf32>
    %integer_pow3A = arith.mulf %sub3A_21, %sub3A_21 : vector<2048x768xf32>
    %reduce_sum3A_22 = arith.constant dense<0.000000e+00> : vector<2048xf32>
    %reduce_sum3A_23 = vector.multi_reduction <add>, %integer_pow3A, %reduce_sum3A_22 [1] : vector<2048x768xf32> to vector<2048xf32>
    %broadcast_in_dim3A_24 = vector.shape_cast %reduce_sum3A_23 : vector<2048xf32> to vector<2048x1xf32>
    %div3A_25 = arith.constant 7.680000e+02 : f32
    %div3A_26 = vector.broadcast %div3A_25 : f32 to vector<2048x1xf32>
    %div3A_27 = arith.divf %broadcast_in_dim3A_24, %div3A_26 : vector<2048x1xf32>
    %sub3A_28 = vector.broadcast %div3A_20 : vector<2048x1xf32> to vector<2048x768xf32>
    %sub3A_29 = arith.subf %add3A_17, %sub3A_28 : vector<2048x768xf32>
    %add3A_30 = arith.constant 9.99999974E-6 : f32
    %add3A_31 = vector.broadcast %add3A_30 : f32 to vector<2048x1xf32>
    %add3A_32 = arith.addf %div3A_27, %add3A_31 : vector<2048x1xf32>
    %rsqrt3A = math.rsqrt %add3A_32 : vector<2048x1xf32>
    %mul3A_33 = vector.broadcast %rsqrt3A : vector<2048x1xf32> to vector<2048x768xf32>
    %mul3A_34 = arith.mulf %sub3A_29, %mul3A_33 : vector<2048x768xf32>
    %get3A_35 = arith.constant 0 : index
    %get3A_36 = vector.load %arg4[%get3A_35] : memref<768xf32, #tpu.memory_space<vmem>>, vector<768xf32>
    %broadcast_in_dim3A_37 = vector.shape_cast %get3A_36 : vector<768xf32> to vector<1x768xf32>
    %mul3A_38 = vector.broadcast %broadcast_in_dim3A_37 : vector<1x768xf32> to vector<2048x768xf32>
    %mul3A_39 = arith.mulf %mul3A_34, %mul3A_38 : vector<2048x768xf32>
    %get3A_40 = arith.constant 0 : index
    %get3A_41 = vector.load %arg5[%get3A_40] : memref<768xf32, #tpu.memory_space<vmem>>, vector<768xf32>
    %broadcast_in_dim3A_42 = vector.shape_cast %get3A_41 : vector<768xf32> to vector<1x768xf32>
    %add3A_43 = vector.broadcast %broadcast_in_dim3A_42 : vector<1x768xf32> to vector<2048x768xf32>
    %add3A_44 = arith.addf %mul3A_39, %add3A_43 : vector<2048x768xf32>
    %reduce_sum3A_45 = arith.constant dense<0.000000e+00> : vector<768xf32>
    %reduce_sum3A_46 = vector.multi_reduction <add>, %add3A_44, %reduce_sum3A_45 [0] : vector<2048x768xf32> to vector<768xf32>
    %broadcast_in_dim3A_47 = vector.shape_cast %reduce_sum3A_46 : vector<768xf32> to vector<1x768xf32>
    %div3A_48 = arith.constant 2.048000e+03 : f32
    %div3A_49 = vector.broadcast %div3A_48 : f32 to vector<1x768xf32>
    %div3A_50 = arith.divf %broadcast_in_dim3A_47, %div3A_49 : vector<1x768xf32>
    %get3A_51 = arith.constant 0 : index
    %get3A_52 = arith.constant 0 : index
    %get3A_53 = vector.load %arg6[%get3A_51, %get3A_52] : memref<768x16xf32, #tpu.memory_space<vmem>>, vector<768x16xf32>
    %dot_general3A = arith.constant dense<0.000000e+00> : vector<1x16xf32>
    %dot_general3A_54 = tpu.matmul %div3A_50, %get3A_53, %dot_general3A {dimension_numbers = #tpu.dot_dimension_numbers<[1], [0], [0], [1], [0, 0, 1, 1], [], []>, transpose_lhs_hint = false} : vector<1x768xf32>, vector<768x16xf32>, vector<1x16xf32> -> vector<1x16xf32>
    %get3A_55 = arith.constant 0 : index
    %get3A_56 = vector.load %arg7[%get3A_55] : memref<16xf32, #tpu.memory_space<vmem>>, vector<16xf32>
    %broadcast_in_dim3A_57 = vector.shape_cast %get3A_56 : vector<16xf32> to vector<1x16xf32>
    %add3A_58 = arith.addf %dot_general3A_54, %broadcast_in_dim3A_57 : vector<1x16xf32>
    %swap3A = arith.constant 0 : index
    %swap3A_59 = arith.constant 0 : index
    %swap3A_60 = vector.load %arg8[%swap3A, %swap3A_59] : memref<1x16xf32, #tpu.memory_space<vmem>>, vector<1x16xf32>
    tpu.vector_store %arg8[%swap3A, %swap3A_59], %add3A_58 {strides = array<i32>} : memref<1x16xf32, #tpu.memory_space<vmem>>, vector<1x16xf32>,
    return
  }
}

</mosaic_0001>

<sc_bundles>
// kernel: kernel.11.cloned.1.call-start
scs
__scs_entry_jumppad:
0x0: {  	(pc) =	sbr.rel $0x88, $3  }
0x1: {  	(tag) =	ssettag $0x0;
	lr =	simm.s32 $0x1  }
0x2: {  	[smem:$0x3F8F] =	sst lr;
	_ =	strace $0xD0000000  }
0x3: {  	_ = 	snop  }
0x4: {  	_ = 	snop  }
0x5: {  	_ = 	snop  }
0x6: {  	_ = 	snop  }
0x7: {  	_ = 	snop  }
__scs_overlays_trampoline_lowered:
0x8: {  	[smem:$0x3F9E] =	sst s0  }
0x9: {  	[smem:$0x3F9F] =	sst s1  }
0xa: {  	[smem:$0x3FA0] =	sst s2  }
0xb: {  	[smem:$0x3FA1] =	sst s3  }
0xc: {  	[smem:$0x3FA2] =	sst s4  }
0xd: {  	[smem:$0x3FA3] =	sst s5  }
0xe: {  	[smem:$0x3FA4] =	sst s6  }
0xf: {  	[smem:$0x3FA5] =	sst s7  }
0x10: {  	[smem:$0x3FA6] =	sst s8  }
0x11: {  	[smem:$0x3FA7] =	sst s9;
	s0 =	simm.s32 @!p0 $0x0  }
0x12: {  	s1 =	sld [smem:$0x3F8D];
	s0 =	simm.s32 @p0 $0x1  }
0x13: {  	[smem:$0x3FA8] =	sst s0;
	s0 =	simm.s32 @!p1 $0x0  }
0x14: {  	s2 =	sld [smem:$0x3F8C];
	s0 =	simm.s32 @p1 $0x1  }
0x15: {  	[smem:$0x3FA9] =	sst s0;
	s0 =	simm.s32 @!p2 $0x0  }
0x16: {  	s3 =	sld [smem:$0x3FDB];
	s0 =	simm.s32 @p2 $0x1  }
0x17: {  	s4 =	simm.s32 $0x1BF5;
	[smem:$0x3FAB] =	sst s0  }
0x18: {  	s0 =	sld [smem:$0x3F8E];
	_ =	swait.ge [sflag:s4], $0x0  }
0x19: {  	s7 =	sld [smem:$0x3F8F]  }
0x1a: {  	s8 =	sadd.s32 $0xFFFFE003, lr  }
0x1b: {  	s9 =	sadd.s32 $0xFFFFFEF7, lr;
	s5 =	simm.s32 $0xFFFFFFFF;
	p2 =	slt.u32 s8, $0xFFFFF086  }
0x1c: {  	p1 =	slt.u32 s9, $0xF7A;
	s5 =	simm.s32 @!p2 $0x0  }
0x1d: {  	s5 =	simm.s32 @p1 $0x1;
	p0 =	seq.s32 s7, s2  }
0x1e: {  	s7 =	smul.u32 @!p0 $0xF7A, s2;
	p2 =	seq.s32 @!p0 s5, $0x0  }
0x1f: {  	s9 =	smul.u32 $0xF7A, s1;
	s8 =	simm.s32 @!p0 $0x1BF5;
	p2 =	por !p2, p0  }
0x20: {  	[sflag:s8] =	ssyncset.s32 @!p0 $0xFFFFF086;
	s6 =	sadd.s32 @!p0 s3, s7;
	s7 =	simm.s32 @!p0 $0x108  }
0x21: {  	s3 =	sadd.s32 s3, s9;
	s6 =	sadd.s32 @!p0 $0x88, s6;
	s7 =	simm.s32 @p2 $0x1082  }
0x22: {  	[simem:s7], [sflag:s8] =	dma.local @!p0 [hbm:s6], $0xF7A  }
0x23: {  	s9 =	sor.u32 $0xD0000000, s2;
	s6 =	simm.s32 $0x108;
	_ =	swait.ge @!p0 [sflag:s8], $0x0  }
0x24: {  	s3 =	sadd.s32 $0x88, s3;
	s6 =	simm.s32 @!p1 $0x1082;
	[sflag:s4] =	ssyncset.s32 $0xFFFFF086  }
0x25: {  	[simem:s6], [sflag:s4] =	dma.local [hbm:s3], $0xF7A  }
0x26: {  	[smem:$0x3F8F] =	sst s1;
	(tag) =	ssettag s2;
	_ =	strace s9  }
0x27: {  	s1 =	sld [smem:$0x3F9F]  }
0x28: {  	s2 =	sld [smem:$0x3FA0]  }
0x29: {  	s4 =	sld [smem:$0x3FA2]  }
0x2a: {  	p0 =	seq.s32 s5, $0x0;
	s5 =	sld [smem:$0x3FA3]  }
0x2b: {  	s6 =	sld [smem:$0x3FA4]  }
0x2c: {  	s7 =	sld [smem:$0x3FA5]  }
0x2d: {  	s3 =	simm.s32 $0x108;
	s8 =	sld [smem:$0x3FA6]  }
0x2e: {  	s3 =	simm.s32 @!p0 $0x1082;
	s9 =	sld [smem:$0x3FA7]  }
0x2f: {  	lr =	sadd.s32 s0, s3;
	s0 =	sld [smem:$0x3F9E]  }
0x30: {  	s3 =	sld [smem:$0x3FA1]  }
0x31: {  	[smem:$0x3FAA] =	sst s10  }
0x32: {  	s10 =	sld [smem:$0x3FA8];
	_ =	sdelay $0x3  }
0x33: {  	p0 =	seq.s32 s10, $0x1;
	s10 =	sld [smem:$0x3FAA];
	_ =	sdelay $0x3  }
0x34: {  	[smem:$0x3FAA] =	sst s10  }
0x35: {  	s10 =	sld [smem:$0x3FA9];
	_ =	sdelay $0x3  }
0x36: {  	p1 =	seq.s32 s10, $0x1;
	s10 =	sld [smem:$0x3FAA];
	_ =	sdelay $0x3  }
0x37: {  	[smem:$0x3FAA] =	sst s10  }
0x38: {  	s10 =	sld [smem:$0x3FAB]  }
0x39: {  	_ = 	snop;
	(pc) =	sbr.ind lr, $3  }
0x3a: {  	_ = 	snop  }
0x3b: {  	_ = 	snop  }
0x3c: {  	p2 =	seq.s32 s10, $0x1;
	s10 =	sld [smem:$0x3FAA]  }
0x3d: {  	_ =	shalt  }
0x3e: {  	_ =	shalt  }
0x3f: {  	_ =	shalt  }
0x40: {  	_ =	shalt  }
0x41: {  	_ =	shalt  }
0x42: {  	_ =	shalt  }
0x43: {  	_ =	shalt  }
0x44: {  	_ =	shalt  }
0x45: {  	_ =	shalt  }
0x46: {  	_ =	shalt  }
0x47: {  	_ =	shalt  }
0x48: {  	_ =	shalt  }
0x49: {  	_ =	shalt  }
0x4a: {  	_ =	shalt  }
0x4b: {  	_ =	shalt  }
0x4c: {  	_ =	shalt  }
0x4d: {  	_ =	shalt  }
0x4e: {  	_ =	shalt  }
0x4f: {  	_ =	shalt  }
0x50: {  	_ =	shalt  }
0x51: {  	_ =	shalt  }
0x52: {  	_ =	shalt  }
0x53: {  	_ =	shalt  }
0x54: {  	_ =	shalt  }
0x55: {  	_ =	shalt  }
0x56: {  	_ =	shalt  }
0x57: {  	_ =	shalt  }
0x58: {  	_ =	shalt  }
0x59: {  	_ =	shalt  }
0x5a: {  	_ =	shalt  }
0x5b: {  	_ =	shalt  }
0x5c: {  	_ =	shalt  }
0x5d: {  	_ =	shalt  }
0x5e: {  	_ =	shalt  }
0x5f: {  	_ =	shalt  }
0x60: {  	_ =	shalt  }
0x61: {  	_ =	shalt  }
0x62: {  	_ =	shalt  }
0x63: {  	_ =	shalt  }
0x64: {  	_ =	shalt  }
0x65: {  	_ =	shalt  }
0x66: {  	_ =	shalt  }
0x67: {  	_ =	shalt  }
0x68: {  	_ =	shalt  }
0x69: {  	_ =	shalt  }
0x6a: {  	_ =	shalt  }
0x6b: {  	_ =	shalt  }
0x6c: {  	_ =	shalt  }
0x6d: {  	_ =	shalt  }
0x6e: {  	_ =	shalt  }
0x6f: {  	_ =	shalt  }
0x70: {  	_ =	shalt  }
0x71: {  	_ =	shalt  }
0x72: {  	_ =	shalt  }
0x73: {  	_ =	shalt  }
0x74: {  	_ =	shalt  }
0x75: {  	_ =	shalt  }
0x76: {  	_ =	shalt  }
0x77: {  	_ =	shalt  }
0x78: {  	_ =	shalt  }
0x79: {  	_ =	shalt  }
0x7a: {  	_ =	shalt  }
0x7b: {  	_ =	shalt  }
0x7c: {  	_ =	shalt  }
0x7d: {  	_ =	shalt  }
0x7e: {  	_ =	shalt  }
0x7f: {  	_ =	shalt  }
0x80: {  	_ =	shalt  }
0x81: {  	_ =	shalt  }
0x82: {  	_ =	shalt  }
0x83: {  	_ =	shalt  }
0x84: {  	_ =	shalt  }
0x85: {  	_ =	shalt  }
0x86: {  	_ =	shalt  }
0x87: {  	_ =	shalt  }
.Lfunc_end0:
.L_simem_size_0:
called_computation.1_lowered:
.L_overlay_start_0:
0x88: {  	s2 =	sld [smem:$0x3FD9]  }
0x89: {  	s3 =	sld [smem:$0x3FFE];
	_ =	sdelay $0x1  }
0x8a: {  	s1 =	srdreg.scid  }
0x8b: {  	s0 =	sand.u32 $0x1, s1  }
0x8c: {  	s14 =	sshll.u32 s0, $0xA;
	s2 =	sadd.s32 s3, s2  }
0x8d: {  	s2 =	sadd.s32 s2, s14  }
0x8e: {  	[smem:$0x3FB6] =	sst s2  }
0x8f: {  	_ = 	snop  }
0x90: {  	s2 =	sld [smem:$0x3FD0];
	_ =	sdelay $0x2  }
0x91: {  	s15 =	simm.s32 $0xA;
	s4 =	simm.s32 $0x10  }
0x92: {  	[smem:s4], [sflag:s15] =	dma.local [hbm:s2], $0x1  }
0x93: {  	_ =	swait.eq [sflag:s15], $0x1  }
0x94: {  	[sflag:s15] =	ssyncset.done $0x0  }
0x95: {  	[sflag:s15] =	ssyncadd.s32 $0xFFFFFFFF  }
0x96: {  	s16 =	sld [smem:$0x11];
	(tm) =	ssettm $0x1  }
0x97: {  	s17 =	sld [smem:$0x3FFB];
	_ =	sdelay $0x3  }
0x98: {  	_ =	strace s17  }
0x99: {  	s3 =	sld [smem:$0x3FFC];
	_ =	sdelay $0x3  }
0x9a: {  	_ =	strace s3  }
0x9b: {  	s3 =	sld [smem:$0x3FFD];
	_ =	sdelay $0x3  }
0x9c: {  	_ =	strace s3  }
0x9d: {  	_ =	strace $0x8FFFFFFF  }
0x9e: {  	s18 =	sld [smem:$0x3FDB];
	_ =	sdelay $0x1  }
0x9f: {  	s19 =	simm.s32 $_scs_section_size  }
0xa0: {  	s5 =	simm.s32 $_size__tile_overlayer_lowered;
	s6 =	simm.s32 $_tile_overlayer_lowered  }
0xa1: {  	s22 =	simm.s32 $0x1BFF;
	s21 =	sshll.u32 s6, $0x1;
	s3 =	sadd.s32 s19, s18  }
0xa2: {  	s7 =	simm.s32 $0x0;
	s20 =	sshll.u32 s5, $0x1;
	s5 =	sadd.s32 s21, s3  }
0xa3: {  	[timem:s7], [sflag:s22] =	dma.local [hbm:s5], s20  }
0xa4: {  	_ =	swait.ge [sflag:s22], s20  }
0xa5: {  	s4 =	ssub.s32 $0x0, s20;
	[sflag:s22] =	ssyncset.done $0x0  }
0xa6: {  	[sflag:s22] =	ssyncadd.s32 s4;
	_ =	sdelay $0x1  }
0xa7: {  	s23 =	simm.s32 $0x1B8B  }
0xa8: {  	_ =	swait.ge [sflag:s23], $0x1  }
0xa9: {  	[sflag:s23] =	ssyncset.done $0x0  }
0xaa: {  	s25 =	simm.s32 $0x1B8E;
	s24 =	sld [smem:$0x3FFE];
	[sflag:s23] =	ssyncadd.s32 $0xFFFFFFFF  }
0xab: {  	s26 =	simm.s32 $execute0_lowered;
	[smem:$0x3FD2] =	sst s25  }
0xac: {  	s5 =	sshll.u32 s26, $0x1;
	_ =	strace $0x80000049;
	[dreg:$0x1] =	wrdreg $0xFFFFFFFF  }
0xad: {  	s28 =	simm.s32 $_size_execute0_lowered;
	s3 =	sadd.s32 s3, s5;
	[dreg:$0x0] =	wrdreg $0x0  }
0xae: {  	s5 =	sshll.u32 s28, $0x1;
	[dreg:$0x2] =	wrdreg s3  }
0xaf: {  	[dreg:$0x3] =	wrdreg s5  }
0xb0: {  	[dreg:$0x4] =	wrdreg $0xC0  }
0xb1: {  	_ =	task [dreg:s7], $0x5FFFF  }
0xb2: {  	[dreg:$0x1] =	wrdreg $0xFFFFFFFF  }
0xb3: {  	[dreg:$0x0] =	wrdreg $0x60  }
0xb4: {  	[dreg:$0x2] =	wrdreg s24  }
0xb5: {  	[dreg:$0x3] =	wrdreg s16  }
0xb6: {  	[dreg:$0x4] =	wrdreg $0x9  }
0xb7: {  	_ =	task.clear_ibuf [dreg:s7], $0x5FFFF;
	_ =	strace $0x90000049  }
0xb8: {  	s29 =	simm.s32 $0x9;
	_ =	strace $0x8000004B  }
0xb9: {  	_ =	swait.ge [sflag:s29], $0x1  }
0xba: {  	[sflag:s29] =	ssyncadd.s32 $0xFFFFFFFF  }
0xbb: {  	_ =	strace $0x9000004B  }
0xbc: {  	_ =	sfence  }
0xbd: {  	s30 =	sld [smem:$0x0];
	_ =	sdelay $0x2  }
0xbe: {  	s31 =	sshll.u32 s1, $0xD;
	s1 =	sshrl.u32 s1, $0x2  }
0xbf: {  	s3 =	sand.u32 $0x4000, s31;
	s1 =	sadd.s32 s1, s30  }
0xc0: {  	s0 =	sor.u32 s3, s0;
	s1 =	sshll.u32 s1, $0x11  }
0xc1: {  	s0 =	sor.u32 s1, s0  }
0xc2: {  	s0 =	sadd.s32 $0x8F2B, s0  }
0xc3: {  	[sflag:s0] =	ssyncadd.remote.s32 $0x1  }
0xc4: {  	_ =	sfence.sel $0xFFFF  }
0xc5: {  	[dreg:$0x0] =	wrdreg $0xFFFFFFFF;
	(pc) =	sbr.abs _section_cstart, $3  }
0xc6: {  	[dreg:$0x1] =	wrdreg $0xFFFFFFFF  }
0xc7: {  	_ =	task.clear_ibuf [dreg:s7], $0x2FFFF;
	_ =	strace $0x9FFFFFFF  }
0xc8: {  	(tm) =	ssettm $0x7FFFFFFF  }
0xc9: {  	_ =	shalt  }
tec
execute0_lowered:
.L_overlay_start_1:
0x0: {  	(tag) =	ssettag $0x1  }
0x1: {  	s0 =	srdreg.scid;
	s1 =	rddreg [dreg:$0x0]  }
0x2: {  	s2 =	stileid.u32;
	s4 =	rddreg [dreg:$0x1]  }
0x3: {  	s26 =	simm.s32 $0x80;
	s9 =	simm.s32 $0x2;
	s12 =	simm.s32 $0x1900  }
0x4: {  	s13 =	simm.s32 $0x2100;
	s14 =	simm.s32 $0x2900;
	s15 =	simm.s32 $0x3100  }
0x5: {  	s16 =	simm.s32 $0x3900;
	s17 =	simm.s32 $0x4100;
	s18 =	simm.s32 $0x4900  }
0x6: {  	s19 =	simm.s32 $0x5100;
	s20 =	simm.s32 $0x5900;
	s21 =	simm.s32 $0x6100  }
0x7: {  	s22 =	simm.s32 $0x6900;
	s23 =	simm.s32 $0x7100;
	s24 =	simm.s32 $0x7900  }
0x8: {  	s28 =	simm.s32 $0x9100;
	s29 =	simm.s32 $0x9900;
	s0 =	sand.u32 $0x1, s0  }
0x9: {  	s30 =	simm.s32 $0xA100;
	s2 =	sshll.u32 s2, $0x4;
	s3 =	sshll.u32 s0, $0x3  }
0xa: {  	s31 =	simm.s32 $0xA900;
	s0 =	ssub.s32 $0x2, s0;
	s5 =	sor.u32 s3, s2  }
0xb: {  	s2 =	simm.s32 $0x0;
	s8 =	sshrl.u32 s0, $0x1;
	s3 =	smul.u32 $0x300, s5  }
0xc: {  	[smem:$0x7FF] =	sst s2;
	s7 =	sadd.s32 s5, s1;
	s4 =	sadd.s32 s4, s5  }
0xd: {  	s0 =	ssub.s32 s0, s8;
	s5 =	sadd.s32 $0x34E00, s1;
	s8 =	simm.s32 $0x3  }
0xe: {  	_ =	strace $0x8000004A;
	[dreg:$0x4] =	wrdreg s4;
	s25 =	sadd.s32 $0x34600, s7  }
0xf: {  	s4 =	sadd.s32 $0x34D00, s1;
	[dreg:$0x6] =	wrdreg s26;
	s26 =	simm.s32 $0x8900  }
0x10: {  	v2 =	vlaneseq.u32;
	s7 =	simm.s32 $0xB900;
	s6 =	sadd.s32 s3, s1;
	s3 =	sadd.s32 $0x34C00, s1  }
0x11: {  	vm0 =	vmmov $0xffff;
	v1 =	vshrl.u32 v2, $0x3;
	[dreg:$0x5] =	wrdreg s25;
	s25 =	simm.s32 $0x8100;
	s6 =	sadd.s32 $0x4600, s6  }
0x12: {  	v0 =	vand.u32 $0x7, v2;
	v2 =	vor.u32 $0x8, v2;
	v1 =	vmul.u32 $0x8, v1;
	s1 =	simm.s32 $0xB100;
	[dreg:$0x3] =	wrdreg s6;
	s6 =	smax.u32 s0, $0x1  }
.LBB2_1:
0x13: {  	s10 =	rddreg [dreg:$0x3];
	s0 =	simm.s32 $0x100  }
0x14: {  	[tilespmem:s0], [sflag:$0x3] =	stream.linear.gather [hbm4b:s10+s2], $0xC000, $0x38;
	[tilespmem:$0xC100] =	vst v63  }
0x15: {  	_ =	swait.ge [sflag:s8], $0xC000  }
0x16: {  	[sflag:s8] =	ssyncset.done $0x0  }
0x17: {  	s11 =	rddreg [dreg:$0x4];
	[sflag:s8] =	ssyncadd.s32 $0xFFFF4000  }
0x18: {  	[tilespmem:s2], [sflag:$0x3] =	stream.linear.gather [hbm4b:s11+s2], $0x40, $0x38;
	[tilespmem:$0xC100] =	vst v63  }
0x19: {  	_ =	swait.ge [sflag:s8], $0x40  }
0x1a: {  	s10 =	rddreg [dreg:$0x5];
	[sflag:s8] =	ssyncset.done $0x0  }
0x1b: {  	s11 =	rddreg [dreg:$0x6];
	[sflag:s8] =	ssyncadd.s32 $0xFFFFFFC0  }
0x1c: {  	[tilespmem:s11], [sflag:$0x3] =	stream.linear.gather [hbm4b:s10+s2], $0x40, $0x38;
	[tilespmem:$0xC100] =	vst v63  }
0x1d: {  	_ =	swait.ge [sflag:s8], $0x40  }
0x1e: {  	[sflag:s8] =	ssyncset.done $0x0  }
0x1f: {  	[sflag:s8] =	ssyncadd.s32 $0xFFFFFFC0  }
0x20: {  	v3 =	vld [tilespmem:$0x0];
	_ =	sdelay $0x4  }
0x21: {  	v4 =	vshrl.u32 v3, $0x3  }
0x22: {  	v4 =	vmul.u32 $0x30, v4  }
0x23: {  	v3 =	vand.u32 $0x7, v3  }
0x24: {  	v3 =	vor.u32 v3, v4  }
0x25: {  	v4 =	vperm.xlane v3, v0;
	_ =	sdelay $0x1  }
0x26: {  	v4 =	vadd.s32 v1, v4;
	_ =	sdelay $0x3  }
0x27: {  	v3 =	vperm.xlane v3, v2  }
0x28: {  	[hbm4b:s3+s2] =	stream.indirect_vreg.scatter [tilespmem:s0], [sflag:$0x1], $0x80, v4, vm0, $0xb8;
	[tilespmem:$0xC100] =	vst v63  }
0x29: {  	s10 =	simm.s32 $0x900;
	v3 =	vadd.s32 v1, v3  }
0x2a: {  	[hbm4b:s4+s2] =	stream.indirect_vreg.scatter [tilespmem:s10], [sflag:$0x1], $0x80, v4, vm0, $0xb8;
	[tilespmem:$0xC100] =	vst v63  }
0x2b: {  	s11 =	simm.s32 $0x1100  }
0x2c: {  	[hbm4b:s5+s2] =	stream.indirect_vreg.scatter [tilespmem:s11], [sflag:$0x1], $0x80, v4, vm0, $0xb8;
	[tilespmem:$0xC100] =	vst v63  }
0x2d: {  	_ = 	snop  }
0x2e: {  	[hbm4b:s3+s2] =	stream.indirect_vreg.scatter [tilespmem:s12], [sflag:$0x1], $0x80, v3, vm0, $0xb8;
	[tilespmem:$0xC100] =	vst v63  }
0x2f: {  	_ = 	snop  }
0x30: {  	[hbm4b:s4+s2] =	stream.indirect_vreg.scatter [tilespmem:s13], [sflag:$0x1], $0x80, v3, vm0, $0xb8;
	[tilespmem:$0xC100] =	vst v63  }
0x31: {  	_ = 	snop  }
0x32: {  	[hbm4b:s5+s2] =	stream.indirect_vreg.scatter [tilespmem:s14], [sflag:$0x1], $0x80, v3, vm0, $0xb8;
	[tilespmem:$0xC100] =	vst v63  }
0x33: {  	v3 =	vld [tilespmem:$0x10];
	_ =	sdelay $0x4  }
0x34: {  	v57 =	vshrl.u32 v3, $0x3  }
0x35: {  	v4 =	vmul.u32 $0x30, v57  }
0x36: {  	v3 =	vand.u32 $0x7, v3  }
0x37: {  	v3 =	vor.u32 v3, v4  }
0x38: {  	v4 =	vperm.xlane v3, v0;
	_ =	sdelay $0x1  }
0x39: {  	v4 =	vadd.s32 v1, v4;
	_ =	sdelay $0x3  }
0x3a: {  	v3 =	vperm.xlane v3, v2  }
0x3b: {  	[hbm4b:s3+s2] =	stream.indirect_vreg.scatter [tilespmem:s15], [sflag:$0x1], $0x80, v4, vm0, $0xb8;
	[tilespmem:$0xC100] =	vst v63  }
0x3c: {  	v3 =	vadd.s32 v1, v3  }
0x3d: {  	[hbm4b:s4+s2] =	stream.indirect_vreg.scatter [tilespmem:s16], [sflag:$0x1], $0x80, v4, vm0, $0xb8;
	[tilespmem:$0xC100] =	vst v63  }
0x3e: {  	_ = 	snop  }
0x3f: {  	[hbm4b:s5+s2] =	stream.indirect_vreg.scatter [tilespmem:s17], [sflag:$0x1], $0x80, v4, vm0, $0xb8;
	[tilespmem:$0xC100] =	vst v63  }
0x40: {  	_ = 	snop  }
0x41: {  	[hbm4b:s3+s2] =	stream.indirect_vreg.scatter [tilespmem:s18], [sflag:$0x1], $0x80, v3, vm0, $0xb8;
	[tilespmem:$0xC100] =	vst v63  }
0x42: {  	_ = 	snop  }
0x43: {  	[hbm4b:s4+s2] =	stream.indirect_vreg.scatter [tilespmem:s19], [sflag:$0x1], $0x80, v3, vm0, $0xb8;
	[tilespmem:$0xC100] =	vst v63  }
0x44: {  	_ = 	snop  }
0x45: {  	[hbm4b:s5+s2] =	stream.indirect_vreg.scatter [tilespmem:s20], [sflag:$0x1], $0x80, v3, vm0, $0xb8;
	[tilespmem:$0xC100] =	vst v63  }
0x46: {  	v3 =	vld [tilespmem:$0x20];
	_ =	sdelay $0x4  }
0x47: {  	v58 =	vshrl.u32 v3, $0x3  }
0x48: {  	v4 =	vmul.u32 $0x30, v58  }
0x49: {  	v3 =	vand.u32 $0x7, v3  }
0x4a: {  	v3 =	vor.u32 v3, v4  }
0x4b: {  	v4 =	vperm.xlane v3, v0;
	_ =	sdelay $0x1  }
0x4c: {  	v4 =	vadd.s32 v1, v4;
	_ =	sdelay $0x3  }
0x4d: {  	v3 =	vperm.xlane v3, v2  }
0x4e: {  	[hbm4b:s3+s2] =	stream.indirect_vreg.scatter [tilespmem:s21], [sflag:$0x1], $0x80, v4, vm0, $0xb8;
	[tilespmem:$0xC100] =	vst v63  }
0x4f: {  	v3 =	vadd.s32 v1, v3  }
0x50: {  	[hbm4b:s4+s2] =	stream.indirect_vreg.scatter [tilespmem:s22], [sflag:$0x1], $0x80, v4, vm0, $0xb8;
	[tilespmem:$0xC100] =	vst v63  }
0x51: {  	_ = 	snop  }
0x52: {  	[hbm4b:s5+s2] =	stream.indirect_vreg.scatter [tilespmem:s23], [sflag:$0x1], $0x80, v4, vm0, $0xb8;
	[tilespmem:$0xC100] =	vst v63  }
0x53: {  	_ = 	snop  }
0x54: {  	[hbm4b:s3+s2] =	stream.indirect_vreg.scatter [tilespmem:s24], [sflag:$0x1], $0x80, v3, vm0, $0xb8;
	[tilespmem:$0xC100] =	vst v63  }
0x55: {  	_ = 	snop  }
0x56: {  	[hbm4b:s4+s2] =	stream.indirect_vreg.scatter [tilespmem:s25], [sflag:$0x1], $0x80, v3, vm0, $0xb8;
	[tilespmem:$0xC100] =	vst v63  }
0x57: {  	_ = 	snop  }
0x58: {  	[hbm4b:s5+s2] =	stream.indirect_vreg.scatter [tilespmem:s26], [sflag:$0x1], $0x80, v3, vm0, $0xb8;
	[tilespmem:$0xC100] =	vst v63  }
0x59: {  	v3 =	vld [tilespmem:$0x30];
	_ =	sdelay $0x4  }
0x5a: {  	v59 =	vshrl.u32 v3, $0x3  }
0x5b: {  	v4 =	vmul.u32 $0x30, v59  }
0x5c: {  	v3 =	vand.u32 $0x7, v3  }
0x5d: {  	v3 =	vor.u32 v3, v4  }
0x5e: {  	v4 =	vperm.xlane v3, v0;
	_ =	sdelay $0x1  }
0x5f: {  	v4 =	vadd.s32 v1, v4;
	_ =	sdelay $0x3  }
0x60: {  	v3 =	vperm.xlane v3, v2  }
0x61: {  	[hbm4b:s3+s2] =	stream.indirect_vreg.scatter [tilespmem:s28], [sflag:$0x1], $0x80, v4, vm0, $0xb8;
	[tilespmem:$0xC100] =	vst v63  }
0x62: {  	v3 =	vadd.s32 v1, v3  }
0x63: {  	[hbm4b:s4+s2] =	stream.indirect_vreg.scatter [tilespmem:s29], [sflag:$0x1], $0x80, v4, vm0, $0xb8;
	[tilespmem:$0xC100] =	vst v63  }
0x64: {  	_ = 	snop  }
0x65: {  	[hbm4b:s5+s2] =	stream.indirect_vreg.scatter [tilespmem:s30], [sflag:$0x1], $0x80, v4, vm0, $0xb8;
	[tilespmem:$0xC100] =	vst v63  }
0x66: {  	_ = 	snop  }
0x67: {  	[hbm4b:s3+s2] =	stream.indirect_vreg.scatter [tilespmem:s31], [sflag:$0x1], $0x80, v3, vm0, $0xb8;
	[tilespmem:$0xC100] =	vst v63  }
0x68: {  	_ = 	snop  }
0x69: {  	[hbm4b:s4+s2] =	stream.indirect_vreg.scatter [tilespmem:s1], [sflag:$0x1], $0x80, v3, vm0, $0xb8;
	[tilespmem:$0xC100] =	vst v63  }
0x6a: {  	_ = 	snop  }
0x6b: {  	[hbm4b:s5+s2] =	stream.indirect_vreg.scatter [tilespmem:s7], [sflag:$0x1], $0x80, v3, vm0, $0xb8;
	[tilespmem:$0xC100] =	vst v63  }
0x6c: {  	v3 =	vld [tilespmem:$0x80];
	_ =	sdelay $0x4  }
0x6d: {  	v60 =	vshrl.u32 v3, $0x3  }
0x6e: {  	v4 =	vmul.u32 $0x30, v60  }
0x6f: {  	v3 =	vand.u32 $0x7, v3  }
0x70: {  	v3 =	vor.u32 v3, v4  }
0x71: {  	v4 =	vperm.xlane v3, v0;
	_ =	sdelay $0x1  }
0x72: {  	v4 =	vadd.s32 v1, v4;
	_ =	sdelay $0x3  }
0x73: {  	v3 =	vperm.xlane v3, v2  }
0x74: {  	[hbm4b:s3+s2] =	stream.indirect_vreg.scatter [tilespmem:s0], [sflag:$0x2], $0x80, v4, vm0, $0xb8;
	[tilespmem:$0xC100] =	vst v63  }
0x75: {  	v3 =	vadd.s32 v1, v3  }
0x76: {  	[hbm4b:s4+s2] =	stream.indirect_vreg.scatter [tilespmem:s10], [sflag:$0x2], $0x80, v4, vm0, $0xb8;
	[tilespmem:$0xC100] =	vst v63  }
0x77: {  	_ = 	snop  }
0x78: {  	[hbm4b:s5+s2] =	stream.indirect_vreg.scatter [tilespmem:s11], [sflag:$0x2], $0x80, v4, vm0, $0xb8;
	[tilespmem:$0xC100] =	vst v63  }
0x79: {  	_ = 	snop  }
0x7a: {  	[hbm4b:s3+s2] =	stream.indirect_vreg.scatter [tilespmem:s12], [sflag:$0x2], $0x80, v3, vm0, $0xb8;
	[tilespmem:$0xC100] =	vst v63  }
0x7b: {  	_ = 	snop  }
0x7c: {  	[hbm4b:s4+s2] =	stream.indirect_vreg.scatter [tilespmem:s13], [sflag:$0x2], $0x80, v3, vm0, $0xb8;
	[tilespmem:$0xC100] =	vst v63  }
0x7d: {  	_ = 	snop  }
0x7e: {  	[hbm4b:s5+s2] =	stream.indirect_vreg.scatter [tilespmem:s14], [sflag:$0x2], $0x80, v3, vm0, $0xb8;
	[tilespmem:$0xC100] =	vst v63  }
0x7f: {  	v3 =	vld [tilespmem:$0x90];
	_ =	sdelay $0x4  }
0x80: {  	v61 =	vshrl.u32 v3, $0x3  }
0x81: {  	v4 =	vmul.u32 $0x30, v61  }
0x82: {  	v3 =	vand.u32 $0x7, v3  }
0x83: {  	v3 =	vor.u32 v3, v4  }
0x84: {  	v4 =	vperm.xlane v3, v0;
	_ =	sdelay $0x1  }
0x85: {  	v4 =	vadd.s32 v1, v4;
	_ =	sdelay $0x3  }
0x86: {  	v3 =	vperm.xlane v3, v2  }
0x87: {  	[hbm4b:s3+s2] =	stream.indirect_vreg.scatter [tilespmem:s15], [sflag:$0x2], $0x80, v4, vm0, $0xb8;
	[tilespmem:$0xC100] =	vst v63  }
0x88: {  	v3 =	vadd.s32 v1, v3  }
0x89: {  	[hbm4b:s4+s2] =	stream.indirect_vreg.scatter [tilespmem:s16], [sflag:$0x2], $0x80, v4, vm0, $0xb8;
	[tilespmem:$0xC100] =	vst v63  }
0x8a: {  	_ = 	snop  }
0x8b: {  	[hbm4b:s5+s2] =	stream.indirect_vreg.scatter [tilespmem:s17], [sflag:$0x2], $0x80, v4, vm0, $0xb8;
	[tilespmem:$0xC100] =	vst v63  }
0x8c: {  	_ = 	snop  }
0x8d: {  	[hbm4b:s3+s2] =	stream.indirect_vreg.scatter [tilespmem:s18], [sflag:$0x2], $0x80, v3, vm0, $0xb8;
	[tilespmem:$0xC100] =	vst v63  }
0x8e: {  	_ = 	snop  }
0x8f: {  	[hbm4b:s4+s2] =	stream.indirect_vreg.scatter [tilespmem:s19], [sflag:$0x2], $0x80, v3, vm0, $0xb8;
	[tilespmem:$0xC100] =	vst v63  }
0x90: {  	_ = 	snop  }
0x91: {  	[hbm4b:s5+s2] =	stream.indirect_vreg.scatter [tilespmem:s20], [sflag:$0x2], $0x80, v3, vm0, $0xb8;
	[tilespmem:$0xC100] =	vst v63  }
0x92: {  	v3 =	vld [tilespmem:$0xA0];
	_ =	sdelay $0x4  }
0x93: {  	v62 =	vshrl.u32 v3, $0x3  }
0x94: {  	v4 =	vmul.u32 $0x30, v62  }
0x95: {  	v3 =	vand.u32 $0x7, v3  }
0x96: {  	v3 =	vor.u32 v3, v4  }
0x97: {  	v4 =	vperm.xlane v3, v0;
	_ =	sdelay $0x1  }
0x98: {  	v4 =	vadd.s32 v1, v4;
	_ =	sdelay $0x3  }
0x99: {  	v3 =	vperm.xlane v3, v2  }
0x9a: {  	[hbm4b:s3+s2] =	stream.indirect_vreg.scatter [tilespmem:s21], [sflag:$0x2], $0x80, v4, vm0, $0xb8;
	[tilespmem:$0xC100] =	vst v63  }
0x9b: {  	v3 =	vadd.s32 v1, v3  }
0x9c: {  	[hbm4b:s4+s2] =	stream.indirect_vreg.scatter [tilespmem:s22], [sflag:$0x2], $0x80, v4, vm0, $0xb8;
	[tilespmem:$0xC100] =	vst v63  }
0x9d: {  	_ = 	snop  }
0x9e: {  	[hbm4b:s5+s2] =	stream.indirect_vreg.scatter [tilespmem:s23], [sflag:$0x2], $0x80, v4, vm0, $0xb8;
	[tilespmem:$0xC100] =	vst v63  }
0x9f: {  	_ = 	snop  }
0xa0: {  	[hbm4b:s3+s2] =	stream.indirect_vreg.scatter [tilespmem:s24], [sflag:$0x2], $0x80, v3, vm0, $0xb8;
	[tilespmem:$0xC100] =	vst v63  }
0xa1: {  	_ = 	snop  }
0xa2: {  	[hbm4b:s4+s2] =	stream.indirect_vreg.scatter [tilespmem:s25], [sflag:$0x2], $0x80, v3, vm0, $0xb8;
	[tilespmem:$0xC100] =	vst v63  }
0xa3: {  	_ = 	snop  }
0xa4: {  	[hbm4b:s5+s2] =	stream.indirect_vreg.scatter [tilespmem:s26], [sflag:$0x2], $0x80, v3, vm0, $0xb8;
	[tilespmem:$0xC100] =	vst v63  }
0xa5: {  	v3 =	vld [tilespmem:$0xB0];
	_ =	sdelay $0x4  }
0xa6: {  	v63 =	vshrl.u32 v3, $0x3  }
0xa7: {  	v4 =	vmul.u32 $0x30, v63  }
0xa8: {  	v3 =	vand.u32 $0x7, v3  }
0xa9: {  	v3 =	vor.u32 v3, v4  }
0xaa: {  	v4 =	vperm.xlane v3, v0;
	_ =	sdelay $0x1  }
0xab: {  	v4 =	vadd.s32 v1, v4;
	_ =	sdelay $0x3  }
0xac: {  	v3 =	vperm.xlane v3, v2  }
0xad: {  	[hbm4b:s3+s2] =	stream.indirect_vreg.scatter [tilespmem:s28], [sflag:$0x2], $0x80, v4, vm0, $0xb8;
	[tilespmem:$0xC100] =	vst v63  }
0xae: {  	v3 =	vadd.s32 v1, v3  }
0xaf: {  	[hbm4b:s4+s2] =	stream.indirect_vreg.scatter [tilespmem:s29], [sflag:$0x2], $0x80, v4, vm0, $0xb8;
	[tilespmem:$0xC100] =	vst v63  }
0xb0: {  	_ = 	snop  }
0xb1: {  	[hbm4b:s5+s2] =	stream.indirect_vreg.scatter [tilespmem:s30], [sflag:$0x2], $0x80, v4, vm0, $0xb8;
	[tilespmem:$0xC100] =	vst v63  }
0xb2: {  	_ = 	snop  }
0xb3: {  	[hbm4b:s3+s2] =	stream.indirect_vreg.scatter [tilespmem:s31], [sflag:$0x2], $0x80, v3, vm0, $0xb8;
	[tilespmem:$0xC100] =	vst v63  }
0xb4: {  	_ = 	snop  }
0xb5: {  	[hbm4b:s4+s2] =	stream.indirect_vreg.scatter [tilespmem:s1], [sflag:$0x2], $0x80, v3, vm0, $0xb8;
	[tilespmem:$0xC100] =	vst v63  }
0xb6: {  	s11 =	simm.s32 $0x1  }
0xb7: {  	[hbm4b:s5+s2] =	stream.indirect_vreg.scatter [tilespmem:s7], [sflag:$0x2], $0x80, v3, vm0, $0xb8;
	[tilespmem:$0xC100] =	vst v63  }
0xb8: {  	p0 =	sne.s32 s6, $0x1;
	_ =	swait.ge [sflag:s11], $0xC000  }
.Ltmp0:
0xb9: {  	[sflag:s11] =	ssyncset.done $0x0;
	(pc) =	sbr.rel @p0 .LBB2_1-.Ltmp0, $4  }
0xba: {  	[sflag:s11] =	ssyncadd.s32 $0xFFFF4000  }
0xbb: {  	_ =	swait.ge [sflag:s9], $0xC000  }
0xbc: {  	[sflag:s9] =	ssyncset.done $0x0  }
0xbd: {  	s6 =	sadd.s32 $0xFFFFFFFF, s6;
	[sflag:s9] =	ssyncadd.s32 $0xFFFF4000  }
0xbe: {  	_ =	sfence.sel $0x180000  }
0xbf: {  	[bflag:$0x0] =	sbarrier.arrive $0xFFFF  }
0xc0: {  	_ =	strace $0x9000004A  }
0xc1: {  	s0 =	stileid.u32;
	[bflag:$0x2] =	sbarrier.arrive $0xFFFF  }
0xc2: {  	p0 =	sne.s32 s0, $0x0;
	s0 =	rddreg [dreg:$0x2]  }
0xc3: {  	s0 =	sadd.s32 @!p0 $0x100000, s0  }
0xc4: {  	[sflag:s0] =	ssyncadd.tile.s32 @!p0 $0x1;
	_ =	shalt  }
.Lfunc_end2:
_tile_overlayer_lowered:
.L_overlay_start_2:
0xc5: {  	(tag) =	ssettag $0x2  }
0xc6: {  	s0 =	rddreg [dreg:$0x0];
	s2 =	stileid.u32  }
0xc7: {  	s1 =	rddreg [dreg:$0x1];
	p0 =	sne.s32 s2, $0x0  }
0xc8: {  	s3 =	rddreg [dreg:$0x2];
	[bflag:$0x3] =	sbarrier.arrive $0xFFFF;
	s2 =	simm.s32 @!p0 $0x1C03  }
0xc9: {  	[timem:s3], [sflag:s2] =	dma.local @!p0 [hbm:s0], s1  }
0xca: {  	s0 =	simm.s32 @!p0 $0x3  }
0xcb: {  	_ =	swait.ge @!p0 [sflag:s0], s1  }
0xcc: {  	s1 =	ssub.s32 @!p0 $0x0, s1;
	[sflag:s0] =	ssyncset.done @!p0 $0x0  }
0xcd: {  	[sflag:s0] =	ssyncadd.s32 @!p0 s1  }
0xce: {  	[bflag:$0x3] =	sbarrier.arrive $0xFFFF  }
0xcf: {  	_ =	shalt  }

// kernel: kernel.14.cloned.1.call-start
scs
__scs_entry_jumppad:
0x0: {  	(pc) =	sbr.rel $0x88, $3  }
0x1: {  	(tag) =	ssettag $0x0;
	lr =	simm.s32 $0x1  }
0x2: {  	[smem:$0x3F8F] =	sst lr;
	_ =	strace $0xD0000000  }
0x3: {  	_ = 	snop  }
0x4: {  	_ = 	snop  }
0x5: {  	_ = 	snop  }
0x6: {  	_ = 	snop  }
0x7: {  	_ = 	snop  }
__scs_overlays_trampoline_lowered:
0x8: {  	[smem:$0x3F9E] =	sst s0  }
0x9: {  	[smem:$0x3F9F] =	sst s1  }
0xa: {  	[smem:$0x3FA0] =	sst s2  }
0xb: {  	[smem:$0x3FA1] =	sst s3  }
0xc: {  	[smem:$0x3FA2] =	sst s4  }
0xd: {  	[smem:$0x3FA3] =	sst s5  }
0xe: {  	[smem:$0x3FA4] =	sst s6  }
0xf: {  	[smem:$0x3FA5] =	sst s7  }
0x10: {  	[smem:$0x3FA6] =	sst s8  }
0x11: {  	[smem:$0x3FA7] =	sst s9;
	s0 =	simm.s32 @!p0 $0x0  }
0x12: {  	s1 =	sld [smem:$0x3F8D];
	s0 =	simm.s32 @p0 $0x1  }
0x13: {  	[smem:$0x3FA8] =	sst s0;
	s0 =	simm.s32 @!p1 $0x0  }
0x14: {  	s2 =	sld [smem:$0x3F8C];
	s0 =	simm.s32 @p1 $0x1  }
0x15: {  	[smem:$0x3FA9] =	sst s0;
	s0 =	simm.s32 @!p2 $0x0  }
0x16: {  	s3 =	sld [smem:$0x3FDB];
	s0 =	simm.s32 @p2 $0x1  }
0x17: {  	s4 =	simm.s32 $0x1BF5;
	[smem:$0x3FAB] =	sst s0  }
0x18: {  	s0 =	sld [smem:$0x3F8E];
	_ =	swait.ge [sflag:s4], $0x0  }
0x19: {  	s7 =	sld [smem:$0x3F8F]  }
0x1a: {  	s8 =	sadd.s32 $0xFFFFE003, lr  }
0x1b: {  	s9 =	sadd.s32 $0xFFFFFEF7, lr;
	s5 =	simm.s32 $0xFFFFFFFF;
	p2 =	slt.u32 s8, $0xFFFFF086  }
0x1c: {  	p1 =	slt.u32 s9, $0xF7A;
	s5 =	simm.s32 @!p2 $0x0  }
0x1d: {  	s5 =	simm.s32 @p1 $0x1;
	p0 =	seq.s32 s7, s2  }
0x1e: {  	s7 =	smul.u32 @!p0 $0xF7A, s2;
	p2 =	seq.s32 @!p0 s5, $0x0  }
0x1f: {  	s9 =	smul.u32 $0xF7A, s1;
	s8 =	simm.s32 @!p0 $0x1BF5;
	p2 =	por !p2, p0  }
0x20: {  	[sflag:s8] =	ssyncset.s32 @!p0 $0xFFFFF086;
	s6 =	sadd.s32 @!p0 s3, s7;
	s7 =	simm.s32 @!p0 $0x108  }
0x21: {  	s3 =	sadd.s32 s3, s9;
	s6 =	sadd.s32 @!p0 $0x88, s6;
	s7 =	simm.s32 @p2 $0x1082  }
0x22: {  	[simem:s7], [sflag:s8] =	dma.local @!p0 [hbm:s6], $0xF7A  }
0x23: {  	s9 =	sor.u32 $0xD0000000, s2;
	s6 =	simm.s32 $0x108;
	_ =	swait.ge @!p0 [sflag:s8], $0x0  }
0x24: {  	s3 =	sadd.s32 $0x88, s3;
	s6 =	simm.s32 @!p1 $0x1082;
	[sflag:s4] =	ssyncset.s32 $0xFFFFF086  }
0x25: {  	[simem:s6], [sflag:s4] =	dma.local [hbm:s3], $0xF7A  }
0x26: {  	[smem:$0x3F8F] =	sst s1;
	(tag) =	ssettag s2;
	_ =	strace s9  }
0x27: {  	s1 =	sld [smem:$0x3F9F]  }
0x28: {  	s2 =	sld [smem:$0x3FA0]  }
0x29: {  	s4 =	sld [smem:$0x3FA2]  }
0x2a: {  	p0 =	seq.s32 s5, $0x0;
	s5 =	sld [smem:$0x3FA3]  }
0x2b: {  	s6 =	sld [smem:$0x3FA4]  }
0x2c: {  	s7 =	sld [smem:$0x3FA5]  }
0x2d: {  	s3 =	simm.s32 $0x108;
	s8 =	sld [smem:$0x3FA6]  }
0x2e: {  	s3 =	simm.s32 @!p0 $0x1082;
	s9 =	sld [smem:$0x3FA7]  }
0x2f: {  	lr =	sadd.s32 s0, s3;
	s0 =	sld [smem:$0x3F9E]  }
0x30: {  	s3 =	sld [smem:$0x3FA1]  }
0x31: {  	[smem:$0x3FAA] =	sst s10  }
0x32: {  	s10 =	sld [smem:$0x3FA8];
	_ =	sdelay $0x3  }
0x33: {  	p0 =	seq.s32 s10, $0x1;
	s10 =	sld [smem:$0x3FAA];
	_ =	sdelay $0x3  }
0x34: {  	[smem:$0x3FAA] =	sst s10  }
0x35: {  	s10 =	sld [smem:$0x3FA9];
	_ =	sdelay $0x3  }
0x36: {  	p1 =	seq.s32 s10, $0x1;
	s10 =	sld [smem:$0x3FAA];
	_ =	sdelay $0x3  }
0x37: {  	[smem:$0x3FAA] =	sst s10  }
0x38: {  	s10 =	sld [smem:$0x3FAB]  }
0x39: {  	_ = 	snop;
	(pc) =	sbr.ind lr, $3  }
0x3a: {  	_ = 	snop  }
0x3b: {  	_ = 	snop  }
0x3c: {  	p2 =	seq.s32 s10, $0x1;
	s10 =	sld [smem:$0x3FAA]  }
0x3d: {  	_ =	shalt  }
0x3e: {  	_ =	shalt  }
0x3f: {  	_ =	shalt  }
0x40: {  	_ =	shalt  }
0x41: {  	_ =	shalt  }
0x42: {  	_ =	shalt  }
0x43: {  	_ =	shalt  }
0x44: {  	_ =	shalt  }
0x45: {  	_ =	shalt  }
0x46: {  	_ =	shalt  }
0x47: {  	_ =	shalt  }
0x48: {  	_ =	shalt  }
0x49: {  	_ =	shalt  }
0x4a: {  	_ =	shalt  }
0x4b: {  	_ =	shalt  }
0x4c: {  	_ =	shalt  }
0x4d: {  	_ =	shalt  }
0x4e: {  	_ =	shalt  }
0x4f: {  	_ =	shalt  }
0x50: {  	_ =	shalt  }
0x51: {  	_ =	shalt  }
0x52: {  	_ =	shalt  }
0x53: {  	_ =	shalt  }
0x54: {  	_ =	shalt  }
0x55: {  	_ =	shalt  }
0x56: {  	_ =	shalt  }
0x57: {  	_ =	shalt  }
0x58: {  	_ =	shalt  }
0x59: {  	_ =	shalt  }
0x5a: {  	_ =	shalt  }
0x5b: {  	_ =	shalt  }
0x5c: {  	_ =	shalt  }
0x5d: {  	_ =	shalt  }
0x5e: {  	_ =	shalt  }
0x5f: {  	_ =	shalt  }
0x60: {  	_ =	shalt  }
0x61: {  	_ =	shalt  }
0x62: {  	_ =	shalt  }
0x63: {  	_ =	shalt  }
0x64: {  	_ =	shalt  }
0x65: {  	_ =	shalt  }
0x66: {  	_ =	shalt  }
0x67: {  	_ =	shalt  }
0x68: {  	_ =	shalt  }
0x69: {  	_ =	shalt  }
0x6a: {  	_ =	shalt  }
0x6b: {  	_ =	shalt  }
0x6c: {  	_ =	shalt  }
0x6d: {  	_ =	shalt  }
0x6e: {  	_ =	shalt  }
0x6f: {  	_ =	shalt  }
0x70: {  	_ =	shalt  }
0x71: {  	_ =	shalt  }
0x72: {  	_ =	shalt  }
0x73: {  	_ =	shalt  }
0x74: {  	_ =	shalt  }
0x75: {  	_ =	shalt  }
0x76: {  	_ =	shalt  }
0x77: {  	_ =	shalt  }
0x78: {  	_ =	shalt  }
0x79: {  	_ =	shalt  }
0x7a: {  	_ =	shalt  }
0x7b: {  	_ =	shalt  }
0x7c: {  	_ =	shalt  }
0x7d: {  	_ =	shalt  }
0x7e: {  	_ =	shalt  }
0x7f: {  	_ =	shalt  }
0x80: {  	_ =	shalt  }
0x81: {  	_ =	shalt  }
0x82: {  	_ =	shalt  }
0x83: {  	_ =	shalt  }
0x84: {  	_ =	shalt  }
0x85: {  	_ =	shalt  }
0x86: {  	_ =	shalt  }
0x87: {  	_ =	shalt  }
.Lfunc_end0:
.L_simem_size_0:
called_computation.2_lowered:
.L_overlay_start_0:
0x88: {  	s2 =	sld [smem:$0x3FD9]  }
0x89: {  	s3 =	sld [smem:$0x3FFE];
	_ =	sdelay $0x1  }
0x8a: {  	s1 =	srdreg.scid  }
0x8b: {  	s0 =	sand.u32 $0x1, s1  }
0x8c: {  	s16 =	sshll.u32 s0, $0xA;
	s2 =	sadd.s32 s3, s2  }
0x8d: {  	s2 =	sadd.s32 s2, s16  }
0x8e: {  	[smem:$0x3FB6] =	sst s2  }
0x8f: {  	_ = 	snop  }
0x90: {  	(tm) =	ssettm $0x1  }
0x91: {  	s17 =	sld [smem:$0x3FFB];
	_ =	sdelay $0x3  }
0x92: {  	_ =	strace s17  }
0x93: {  	s2 =	sld [smem:$0x3FFC];
	_ =	sdelay $0x3  }
0x94: {  	_ =	strace s2  }
0x95: {  	s2 =	sld [smem:$0x3FFD];
	_ =	sdelay $0x3  }
0x96: {  	_ =	strace s2  }
0x97: {  	_ =	strace $0x8FFFFFFF  }
0x98: {  	s18 =	sld [smem:$0x3FDB];
	_ =	sdelay $0x1  }
0x99: {  	s19 =	simm.s32 $_scs_section_size  }
0x9a: {  	s4 =	simm.s32 $_size__tile_overlayer_lowered;
	s5 =	simm.s32 $_tile_overlayer_lowered  }
0x9b: {  	s22 =	simm.s32 $0x1BFF;
	s21 =	sshll.u32 s5, $0x1;
	s2 =	sadd.s32 s19, s18  }
0x9c: {  	s6 =	simm.s32 $0x0;
	s20 =	sshll.u32 s4, $0x1;
	s4 =	sadd.s32 s21, s2  }
0x9d: {  	[timem:s6], [sflag:s22] =	dma.local [hbm:s4], s20  }
0x9e: {  	_ =	swait.ge [sflag:s22], s20  }
0x9f: {  	s3 =	ssub.s32 $0x0, s20;
	[sflag:s22] =	ssyncset.done $0x0  }
0xa0: {  	[sflag:s22] =	ssyncadd.s32 s3;
	_ =	sdelay $0x1  }
0xa1: {  	s23 =	simm.s32 $0x1B8B  }
0xa2: {  	_ =	swait.ge [sflag:s23], $0x1  }
0xa3: {  	[sflag:s23] =	ssyncset.done $0x0  }
0xa4: {  	s25 =	simm.s32 $0x1B8E;
	s24 =	sld [smem:$0x3FFE];
	[sflag:s23] =	ssyncadd.s32 $0xFFFFFFFF  }
0xa5: {  	s26 =	simm.s32 $execute0_lowered;
	[smem:$0x3FD2] =	sst s25  }
0xa6: {  	s4 =	sshll.u32 s26, $0x1;
	_ =	strace $0x8000004C;
	[dreg:$0x1] =	wrdreg $0xFFFFFFFF  }
0xa7: {  	s28 =	simm.s32 $_size_execute0_lowered;
	s2 =	sadd.s32 s2, s4;
	[dreg:$0x0] =	wrdreg $0x0  }
0xa8: {  	s4 =	sshll.u32 s28, $0x1;
	[dreg:$0x2] =	wrdreg s2  }
0xa9: {  	[dreg:$0x3] =	wrdreg s4  }
0xaa: {  	[dreg:$0x4] =	wrdreg $0xC0  }
0xab: {  	_ =	task [dreg:s6], $0x5FFFF  }
0xac: {  	[dreg:$0x1] =	wrdreg $0xFFFFFFFF  }
0xad: {  	[dreg:$0x0] =	wrdreg $0x60  }
0xae: {  	[dreg:$0x2] =	wrdreg s24  }
0xaf: {  	[dreg:$0x3] =	wrdreg $0x9  }
0xb0: {  	_ =	task.clear_ibuf [dreg:s6], $0x4FFFF;
	_ =	strace $0x9000004C  }
0xb1: {  	s29 =	simm.s32 $0x9;
	_ =	strace $0x8000004E  }
0xb2: {  	_ =	swait.ge [sflag:s29], $0x1  }
0xb3: {  	[sflag:s29] =	ssyncadd.s32 $0xFFFFFFFF  }
0xb4: {  	_ =	strace $0x9000004E  }
0xb5: {  	_ =	sfence  }
0xb6: {  	s30 =	sld [smem:$0x0];
	_ =	sdelay $0x2  }
0xb7: {  	s31 =	sshll.u32 s1, $0xD;
	s1 =	sshrl.u32 s1, $0x2  }
0xb8: {  	s3 =	sand.u32 $0x4000, s31;
	s1 =	sadd.s32 s1, s30  }
0xb9: {  	s0 =	sor.u32 s3, s0;
	s1 =	sshll.u32 s1, $0x11  }
0xba: {  	s0 =	sor.u32 s1, s0  }
0xbb: {  	s0 =	sadd.s32 $0x8F2B, s0  }
0xbc: {  	[sflag:s0] =	ssyncadd.remote.s32 $0x1  }
0xbd: {  	_ =	sfence.sel $0xFFFF  }
0xbe: {  	[dreg:$0x0] =	wrdreg $0xFFFFFFFF;
	(pc) =	sbr.abs _section_cstart, $3  }
0xbf: {  	[dreg:$0x1] =	wrdreg $0xFFFFFFFF  }
0xc0: {  	_ =	task.clear_ibuf [dreg:s6], $0x2FFFF;
	_ =	strace $0x9FFFFFFF  }
0xc1: {  	(tm) =	ssettm $0x7FFFFFFF  }
tec
execute0_lowered:
.L_overlay_start_1:
0x0: {  	(tag) =	ssettag $0x1  }
0x1: {  	s1 =	srdreg.scid  }
0x2: {  	s2 =	simm.s32 $0x0;
	s4 =	sand.u32 $0x1, s1;
	s1 =	rddreg [dreg:$0x0]  }
0x3: {  	s23 =	simm.s32 $0x80;
	[smem:$0x7FF] =	sst s2  }
0x4: {  	s24 =	simm.s32 $0x900;
	_ =	strace $0x8000004D;
	[dreg:$0x6] =	wrdreg s23  }
0x5: {  	s25 =	simm.s32 $0x1100;
	[dreg:$0x7] =	wrdreg s24  }
0x6: {  	s0 =	stileid.u32;
	s26 =	simm.s32 $0x1900;
	[dreg:$0x8] =	wrdreg s25  }
0x7: {  	s3 =	sshll.u32 s0, $0x4;
	s0 =	simm.s32 $0x2100;
	[dreg:$0x9] =	wrdreg s26  }
0x8: {  	s7 =	simm.s32 $0x3900;
	[dreg:$0xa] =	wrdreg s0  }
0x9: {  	s8 =	simm.s32 $0x4100;
	[dreg:$0xd] =	wrdreg s7  }
0xa: {  	s9 =	simm.s32 $0x4900;
	[dreg:$0xe] =	wrdreg s8  }
0xb: {  	s10 =	simm.s32 $0x5100;
	[dreg:$0xf] =	wrdreg s9  }
0xc: {  	s11 =	simm.s32 $0x5900;
	[dreg:$0x10] =	wrdreg s10  }
0xd: {  	s12 =	simm.s32 $0x6100;
	[dreg:$0x11] =	wrdreg s11  }
0xe: {  	s13 =	simm.s32 $0x6900;
	[dreg:$0x12] =	wrdreg s12  }
0xf: {  	s14 =	simm.s32 $0x7100;
	[dreg:$0x13] =	wrdreg s13  }
0x10: {  	s15 =	simm.s32 $0x7900;
	[dreg:$0x14] =	wrdreg s14  }
0x11: {  	s16 =	simm.s32 $0x8100;
	[dreg:$0x15] =	wrdreg s15  }
0x12: {  	s17 =	simm.s32 $0x8900;
	s18 =	simm.s32 $0x9100;
	[dreg:$0x16] =	wrdreg s16  }
0x13: {  	s19 =	simm.s32 $0x9900;
	s21 =	simm.s32 $0xA100;
	[dreg:$0x17] =	wrdreg s17  }
0x14: {  	s28 =	simm.s32 $0x16900;
	s29 =	simm.s32 $0x17100;
	[dreg:$0x18] =	wrdreg s18  }
0x15: {  	s30 =	simm.s32 $0x17900;
	s31 =	simm.s32 $0x1;
	[dreg:$0x19] =	wrdreg s19  }
0x16: {  	s5 =	sshll.u32 s4, $0x3;
	s4 =	ssub.s32 $0x2, s4;
	[dreg:$0x1a] =	wrdreg s21  }
0x17: {  	s7 =	simm.s32 $0xB100;
	s23 =	simm.s32 $0xB900;
	s24 =	simm.s32 $0xC900  }
0x18: {  	s25 =	simm.s32 $0xD100;
	s8 =	simm.s32 $0x100;
	s26 =	simm.s32 $0xD900  }
0x19: {  	s9 =	simm.s32 $0xC100;
	s11 =	simm.s32 $0xE900;
	s12 =	simm.s32 $0xF100  }
0x1a: {  	s13 =	simm.s32 $0xF900;
	s14 =	simm.s32 $0x10100;
	s15 =	simm.s32 $0x10900  }
0x1b: {  	s16 =	simm.s32 $0x11100;
	s17 =	simm.s32 $0x11900;
	[dreg:$0x1c] =	wrdreg s7  }
0x1c: {  	s18 =	simm.s32 $0x12100;
	s19 =	simm.s32 $0x12900;
	[dreg:$0x1d] =	wrdreg s23  }
0x1d: {  	s21 =	simm.s32 $0x13900;
	s3 =	sor.u32 s5, s3;
	[dreg:$0x1e] =	wrdreg s24  }
0x1e: {  	s20 =	sshrl.u32 s4, $0x1;
	s7 =	simm.s32 $0x3;
	[dreg:$0x1f] =	wrdreg s25  }
0x1f: {  	[smem:$0x7FD] =	sst s26;
	s23 =	simm.s32 $0x14900;
	s5 =	sadd.s32 s3, s1  }
0x20: {  	s24 =	simm.s32 $0x15100;
	s25 =	simm.s32 $0x15900;
	s6 =	sadd.s32 $0x34800, s5  }
0x21: {  	s3 =	smul.u32 $0x300, s3;
	s5 =	sadd.s32 $0x34A00, s5;
	[dreg:$0x2] =	wrdreg s6  }
0x22: {  	s26 =	simm.s32 $0x16100;
	[dreg:$0x3] =	wrdreg s5;
	s5 =	simm.s32 $0x2900  }
0x23: {  	s3 =	sadd.s32 s3, s1;
	s6 =	simm.s32 $0x3100;
	[dreg:$0xb] =	wrdreg s5  }
0x24: {  	s22 =	sadd.s32 $0xACC00, s3;
	s3 =	sadd.s32 $0xDCC00, s3;
	[dreg:$0xc] =	wrdreg s6  }
0x25: {  	s6 =	ssub.s32 s4, s20;
	s4 =	sadd.s32 $0x34D00, s1;
	[dreg:$0x4] =	wrdreg s22  }
0x26: {  	v2 =	vlaneseq.u32;
	s5 =	sadd.s32 $0x34E00, s1;
	s20 =	simm.s32 $0x13100;
	[dreg:$0x5] =	wrdreg s3  }
0x27: {  	vm0 =	vmmov $0xffff;
	v1 =	vshrl.u32 v2, $0x3;
	s3 =	sadd.s32 $0x34C00, s1;
	s22 =	simm.s32 $0xA900;
	s6 =	smax.u32 s6, $0x1  }
0x28: {  	v0 =	vand.u32 $0x7, v2;
	v2 =	vor.u32 $0x8, v2;
	v1 =	vmul.u32 $0x8, v1;
	s1 =	simm.s32 $0x2;
	[dreg:$0x1b] =	wrdreg s22;
	s22 =	simm.s32 $0x14100  }
.LBB2_1:
0x29: {  	s0 =	rddreg [dreg:$0x2]  }
0x2a: {  	[tilespmem:s2], [sflag:$0x3] =	stream.linear.gather [hbm4b:s0+s2], $0x40, $0x38;
	[tilespmem:$0x18100] =	vst v63  }
0x2b: {  	_ =	swait.ge [sflag:s7], $0x40  }
0x2c: {  	s0 =	rddreg [dreg:$0x3];
	[sflag:s7] =	ssyncset.done $0x0  }
0x2d: {  	s10 =	rddreg [dreg:$0x6];
	[sflag:s7] =	ssyncadd.s32 $0xFFFFFFC0  }
0x2e: {  	[tilespmem:s10], [sflag:$0x3] =	stream.linear.gather [hbm4b:s0+s2], $0x40, $0x38;
	[tilespmem:$0x18100] =	vst v63  }
0x2f: {  	_ =	swait.ge [sflag:s7], $0x40  }
0x30: {  	[sflag:s7] =	ssyncset.done $0x0  }
0x31: {  	[sflag:s7] =	ssyncadd.s32 $0xFFFFFFC0  }
0x32: {  	v3 =	vld [tilespmem:$0x0];
	_ =	sdelay $0x4  }
0x33: {  	v4 =	vshrl.u32 v3, $0x3  }
0x34: {  	v4 =	vmul.u32 $0x30, v4  }
0x35: {  	v3 =	vand.u32 $0x7, v3  }
0x36: {  	v3 =	vor.u32 v3, v4  }
0x37: {  	v4 =	vperm.xlane v3, v0;
	_ =	sdelay $0x1  }
0x38: {  	v4 =	vadd.s32 v1, v4;
	_ =	sdelay $0x3  }
0x39: {  	v3 =	vperm.xlane v3, v2  }
0x3a: {  	[tilespmem:s8], [sflag:$0x1] =	stream.indirect_vreg.gather [hbm4b:s3+s2], $0x80, v4, vm0, $0xb8;
	[tilespmem:$0x18100] =	vst v63  }
0x3b: {  	s0 =	rddreg [dreg:$0x7];
	v3 =	vadd.s32 v1, v3  }
0x3c: {  	[tilespmem:s0], [sflag:$0x1] =	stream.indirect_vreg.gather [hbm4b:s4+s2], $0x80, v4, vm0, $0xb8;
	[tilespmem:$0x18100] =	vst v63  }
0x3d: {  	s10 =	rddreg [dreg:$0x8]  }
0x3e: {  	[tilespmem:s10], [sflag:$0x1] =	stream.indirect_vreg.gather [hbm4b:s5+s2], $0x80, v4, vm0, $0xb8;
	[tilespmem:$0x18100] =	vst v63  }
0x3f: {  	s0 =	rddreg [dreg:$0x9]  }
0x40: {  	[tilespmem:s0], [sflag:$0x1] =	stream.indirect_vreg.gather [hbm4b:s3+s2], $0x80, v3, vm0, $0xb8;
	[tilespmem:$0x18100] =	vst v63  }
0x41: {  	s10 =	rddreg [dreg:$0xa]  }
0x42: {  	[tilespmem:s10], [sflag:$0x1] =	stream.indirect_vreg.gather [hbm4b:s4+s2], $0x80, v3, vm0, $0xb8;
	[tilespmem:$0x18100] =	vst v63  }
0x43: {  	s0 =	rddreg [dreg:$0xb]  }
0x44: {  	[tilespmem:s0], [sflag:$0x1] =	stream.indirect_vreg.gather [hbm4b:s5+s2], $0x80, v3, vm0, $0xb8;
	[tilespmem:$0x18100] =	vst v63  }
0x45: {  	v3 =	vld [tilespmem:$0x10];
	_ =	sdelay $0x4  }
0x46: {  	v57 =	vshrl.u32 v3, $0x3  }
0x47: {  	v4 =	vmul.u32 $0x30, v57  }
0x48: {  	v3 =	vand.u32 $0x7, v3  }
0x49: {  	v3 =	vor.u32 v3, v4  }
0x4a: {  	v4 =	vperm.xlane v3, v0;
	_ =	sdelay $0x1  }
0x4b: {  	v4 =	vadd.s32 v1, v4;
	_ =	sdelay $0x3  }
0x4c: {  	s0 =	rddreg [dreg:$0xc];
	v3 =	vperm.xlane v3, v2  }
0x4d: {  	[tilespmem:s0], [sflag:$0x1] =	stream.indirect_vreg.gather [hbm4b:s3+s2], $0x80, v4, vm0, $0xb8;
	[tilespmem:$0x18100] =	vst v63  }
0x4e: {  	s10 =	rddreg [dreg:$0xd];
	v3 =	vadd.s32 v1, v3  }
0x4f: {  	[tilespmem:s10], [sflag:$0x1] =	stream.indirect_vreg.gather [hbm4b:s4+s2], $0x80, v4, vm0, $0xb8;
	[tilespmem:$0x18100] =	vst v63  }
0x50: {  	s0 =	rddreg [dreg:$0xe]  }
0x51: {  	[tilespmem:s0], [sflag:$0x1] =	stream.indirect_vreg.gather [hbm4b:s5+s2], $0x80, v4, vm0, $0xb8;
	[tilespmem:$0x18100] =	vst v63  }
0x52: {  	s10 =	rddreg [dreg:$0xf]  }
0x53: {  	[tilespmem:s10], [sflag:$0x1] =	stream.indirect_vreg.gather [hbm4b:s3+s2], $0x80, v3, vm0, $0xb8;
	[tilespmem:$0x18100] =	vst v63  }
0x54: {  	s0 =	rddreg [dreg:$0x10]  }
0x55: {  	[tilespmem:s0], [sflag:$0x1] =	stream.indirect_vreg.gather [hbm4b:s4+s2], $0x80, v3, vm0, $0xb8;
	[tilespmem:$0x18100] =	vst v63  }
0x56: {  	s10 =	rddreg [dreg:$0x11]  }
0x57: {  	[tilespmem:s10], [sflag:$0x1] =	stream.indirect_vreg.gather [hbm4b:s5+s2], $0x80, v3, vm0, $0xb8;
	[tilespmem:$0x18100] =	vst v63  }
0x58: {  	v3 =	vld [tilespmem:$0x20];
	_ =	sdelay $0x4  }
0x59: {  	v58 =	vshrl.u32 v3, $0x3  }
0x5a: {  	v4 =	vmul.u32 $0x30, v58  }
0x5b: {  	v3 =	vand.u32 $0x7, v3  }
0x5c: {  	v3 =	vor.u32 v3, v4  }
0x5d: {  	v4 =	vperm.xlane v3, v0;
	_ =	sdelay $0x1  }
0x5e: {  	v4 =	vadd.s32 v1, v4;
	_ =	sdelay $0x3  }
0x5f: {  	s0 =	rddreg [dreg:$0x12];
	v3 =	vperm.xlane v3, v2  }
0x60: {  	[tilespmem:s0], [sflag:$0x1] =	stream.indirect_vreg.gather [hbm4b:s3+s2], $0x80, v4, vm0, $0xb8;
	[tilespmem:$0x18100] =	vst v63  }
0x61: {  	s10 =	rddreg [dreg:$0x13];
	v3 =	vadd.s32 v1, v3  }
0x62: {  	[tilespmem:s10], [sflag:$0x1] =	stream.indirect_vreg.gather [hbm4b:s4+s2], $0x80, v4, vm0, $0xb8;
	[tilespmem:$0x18100] =	vst v63  }
0x63: {  	s0 =	rddreg [dreg:$0x14]  }
0x64: {  	[tilespmem:s0], [sflag:$0x1] =	stream.indirect_vreg.gather [hbm4b:s5+s2], $0x80, v4, vm0, $0xb8;
	[tilespmem:$0x18100] =	vst v63  }
0x65: {  	s10 =	rddreg [dreg:$0x15]  }
0x66: {  	[tilespmem:s10], [sflag:$0x1] =	stream.indirect_vreg.gather [hbm4b:s3+s2], $0x80, v3, vm0, $0xb8;
	[tilespmem:$0x18100] =	vst v63  }
0x67: {  	s0 =	rddreg [dreg:$0x16]  }
0x68: {  	[tilespmem:s0], [sflag:$0x1] =	stream.indirect_vreg.gather [hbm4b:s4+s2], $0x80, v3, vm0, $0xb8;
	[tilespmem:$0x18100] =	vst v63  }
0x69: {  	s10 =	rddreg [dreg:$0x17]  }
0x6a: {  	[tilespmem:s10], [sflag:$0x1] =	stream.indirect_vreg.gather [hbm4b:s5+s2], $0x80, v3, vm0, $0xb8;
	[tilespmem:$0x18100] =	vst v63  }
0x6b: {  	v3 =	vld [tilespmem:$0x30];
	_ =	sdelay $0x4  }
0x6c: {  	v59 =	vshrl.u32 v3, $0x3  }
0x6d: {  	v4 =	vmul.u32 $0x30, v59  }
0x6e: {  	v3 =	vand.u32 $0x7, v3  }
0x6f: {  	v3 =	vor.u32 v3, v4  }
0x70: {  	v4 =	vperm.xlane v3, v0;
	_ =	sdelay $0x1  }
0x71: {  	v4 =	vadd.s32 v1, v4;
	_ =	sdelay $0x3  }
0x72: {  	s0 =	rddreg [dreg:$0x18];
	v3 =	vperm.xlane v3, v2  }
0x73: {  	[tilespmem:s0], [sflag:$0x1] =	stream.indirect_vreg.gather [hbm4b:s3+s2], $0x80, v4, vm0, $0xb8;
	[tilespmem:$0x18100] =	vst v63  }
0x74: {  	s10 =	rddreg [dreg:$0x19];
	v3 =	vadd.s32 v1, v3  }
0x75: {  	[tilespmem:s10], [sflag:$0x1] =	stream.indirect_vreg.gather [hbm4b:s4+s2], $0x80, v4, vm0, $0xb8;
	[tilespmem:$0x18100] =	vst v63  }
0x76: {  	s0 =	rddreg [dreg:$0x1a]  }
0x77: {  	[tilespmem:s0], [sflag:$0x1] =	stream.indirect_vreg.gather [hbm4b:s5+s2], $0x80, v4, vm0, $0xb8;
	[tilespmem:$0x18100] =	vst v63  }
0x78: {  	s10 =	rddreg [dreg:$0x1b]  }
0x79: {  	[tilespmem:s10], [sflag:$0x1] =	stream.indirect_vreg.gather [hbm4b:s3+s2], $0x80, v3, vm0, $0xb8;
	[tilespmem:$0x18100] =	vst v63  }
0x7a: {  	s0 =	rddreg [dreg:$0x1c]  }
0x7b: {  	[tilespmem:s0], [sflag:$0x1] =	stream.indirect_vreg.gather [hbm4b:s4+s2], $0x80, v3, vm0, $0xb8;
	[tilespmem:$0x18100] =	vst v63  }
0x7c: {  	s10 =	rddreg [dreg:$0x1d]  }
0x7d: {  	[tilespmem:s10], [sflag:$0x1] =	stream.indirect_vreg.gather [hbm4b:s5+s2], $0x80, v3, vm0, $0xb8;
	[tilespmem:$0x18100] =	vst v63  }
0x7e: {  	v3 =	vld [tilespmem:$0x80];
	_ =	sdelay $0x4  }
0x7f: {  	v60 =	vshrl.u32 v3, $0x3  }
0x80: {  	v4 =	vmul.u32 $0x30, v60  }
0x81: {  	v3 =	vand.u32 $0x7, v3  }
0x82: {  	v3 =	vor.u32 v3, v4  }
0x83: {  	v4 =	vperm.xlane v3, v0;
	_ =	sdelay $0x1  }
0x84: {  	v4 =	vadd.s32 v1, v4;
	_ =	sdelay $0x3  }
0x85: {  	s0 =	rddreg [dreg:$0x1e];
	v3 =	vperm.xlane v3, v2  }
0x86: {  	[tilespmem:s9], [sflag:$0x2] =	stream.indirect_vreg.gather [hbm4b:s3+s2], $0x80, v4, vm0, $0xb8;
	[tilespmem:$0x18100] =	vst v63  }
0x87: {  	s10 =	rddreg [dreg:$0x1f];
	v3 =	vadd.s32 v1, v3  }
0x88: {  	[tilespmem:s0], [sflag:$0x2] =	stream.indirect_vreg.gather [hbm4b:s4+s2], $0x80, v4, vm0, $0xb8;
	[tilespmem:$0x18100] =	vst v63  }
0x89: {  	s0 =	sld [smem:$0x7FD]  }
0x8a: {  	[tilespmem:s10], [sflag:$0x2] =	stream.indirect_vreg.gather [hbm4b:s5+s2], $0x80, v4, vm0, $0xb8;
	[tilespmem:$0x18100] =	vst v63  }
0x8b: {  	_ = 	snop  }
0x8c: {  	[tilespmem:s0], [sflag:$0x2] =	stream.indirect_vreg.gather [hbm4b:s3+s2], $0x80, v3, vm0, $0xb8;
	[tilespmem:$0x18100] =	vst v63  }
0x8d: {  	s10 =	simm.s32 $0xE100  }
0x8e: {  	[tilespmem:s10], [sflag:$0x2] =	stream.indirect_vreg.gather [hbm4b:s4+s2], $0x80, v3, vm0, $0xb8;
	[tilespmem:$0x18100] =	vst v63  }
0x8f: {  	_ = 	snop  }
0x90: {  	[tilespmem:s11], [sflag:$0x2] =	stream.indirect_vreg.gather [hbm4b:s5+s2], $0x80, v3, vm0, $0xb8;
	[tilespmem:$0x18100] =	vst v63  }
0x91: {  	v3 =	vld [tilespmem:$0x90];
	_ =	sdelay $0x4  }
0x92: {  	v61 =	vshrl.u32 v3, $0x3  }
0x93: {  	v4 =	vmul.u32 $0x30, v61  }
0x94: {  	v3 =	vand.u32 $0x7, v3  }
0x95: {  	v3 =	vor.u32 v3, v4  }
0x96: {  	v4 =	vperm.xlane v3, v0;
	_ =	sdelay $0x1  }
0x97: {  	v4 =	vadd.s32 v1, v4;
	_ =	sdelay $0x3  }
0x98: {  	v3 =	vperm.xlane v3, v2  }
0x99: {  	[tilespmem:s12], [sflag:$0x2] =	stream.indirect_vreg.gather [hbm4b:s3+s2], $0x80, v4, vm0, $0xb8;
	[tilespmem:$0x18100] =	vst v63  }
0x9a: {  	v3 =	vadd.s32 v1, v3  }
0x9b: {  	[tilespmem:s13], [sflag:$0x2] =	stream.indirect_vreg.gather [hbm4b:s4+s2], $0x80, v4, vm0, $0xb8;
	[tilespmem:$0x18100] =	vst v63  }
0x9c: {  	_ = 	snop  }
0x9d: {  	[tilespmem:s14], [sflag:$0x2] =	stream.indirect_vreg.gather [hbm4b:s5+s2], $0x80, v4, vm0, $0xb8;
	[tilespmem:$0x18100] =	vst v63  }
0x9e: {  	_ = 	snop  }
0x9f: {  	[tilespmem:s15], [sflag:$0x2] =	stream.indirect_vreg.gather [hbm4b:s3+s2], $0x80, v3, vm0, $0xb8;
	[tilespmem:$0x18100] =	vst v63  }
0xa0: {  	_ = 	snop  }
0xa1: {  	[tilespmem:s16], [sflag:$0x2] =	stream.indirect_vreg.gather [hbm4b:s4+s2], $0x80, v3, vm0, $0xb8;
	[tilespmem:$0x18100] =	vst v63  }
0xa2: {  	_ = 	snop  }
0xa3: {  	[tilespmem:s17], [sflag:$0x2] =	stream.indirect_vreg.gather [hbm4b:s5+s2], $0x80, v3, vm0, $0xb8;
	[tilespmem:$0x18100] =	vst v63  }
0xa4: {  	v3 =	vld [tilespmem:$0xA0];
	_ =	sdelay $0x4  }
0xa5: {  	v62 =	vshrl.u32 v3, $0x3  }
0xa6: {  	v4 =	vmul.u32 $0x30, v62  }
0xa7: {  	v3 =	vand.u32 $0x7, v3  }
0xa8: {  	v3 =	vor.u32 v3, v4  }
0xa9: {  	v4 =	vperm.xlane v3, v0;
	_ =	sdelay $0x1  }
0xaa: {  	v4 =	vadd.s32 v1, v4;
	_ =	sdelay $0x3  }
0xab: {  	v3 =	vperm.xlane v3, v2  }
0xac: {  	[tilespmem:s18], [sflag:$0x2] =	stream.indirect_vreg.gather [hbm4b:s3+s2], $0x80, v4, vm0, $0xb8;
	[tilespmem:$0x18100] =	vst v63  }
0xad: {  	v3 =	vadd.s32 v1, v3  }
0xae: {  	[tilespmem:s19], [sflag:$0x2] =	stream.indirect_vreg.gather [hbm4b:s4+s2], $0x80, v4, vm0, $0xb8;
	[tilespmem:$0x18100] =	vst v63  }
0xaf: {  	_ = 	snop  }
0xb0: {  	[tilespmem:s20], [sflag:$0x2] =	stream.indirect_vreg.gather [hbm4b:s5+s2], $0x80, v4, vm0, $0xb8;
	[tilespmem:$0x18100] =	vst v63  }
0xb1: {  	_ = 	snop  }
0xb2: {  	[tilespmem:s21], [sflag:$0x2] =	stream.indirect_vreg.gather [hbm4b:s3+s2], $0x80, v3, vm0, $0xb8;
	[tilespmem:$0x18100] =	vst v63  }
0xb3: {  	_ = 	snop  }
0xb4: {  	[tilespmem:s22], [sflag:$0x2] =	stream.indirect_vreg.gather [hbm4b:s4+s2], $0x80, v3, vm0, $0xb8;
	[tilespmem:$0x18100] =	vst v63  }
0xb5: {  	_ = 	snop  }
0xb6: {  	[tilespmem:s23], [sflag:$0x2] =	stream.indirect_vreg.gather [hbm4b:s5+s2], $0x80, v3, vm0, $0xb8;
	[tilespmem:$0x18100] =	vst v63  }
0xb7: {  	v3 =	vld [tilespmem:$0xB0];
	_ =	sdelay $0x4  }
0xb8: {  	v63 =	vshrl.u32 v3, $0x3  }
0xb9: {  	v4 =	vmul.u32 $0x30, v63  }
0xba: {  	v3 =	vand.u32 $0x7, v3  }
0xbb: {  	v3 =	vor.u32 v3, v4  }
0xbc: {  	v4 =	vperm.xlane v3, v0;
	_ =	sdelay $0x1  }
0xbd: {  	v4 =	vadd.s32 v1, v4;
	_ =	sdelay $0x3  }
0xbe: {  	v3 =	vperm.xlane v3, v2  }
0xbf: {  	[tilespmem:s24], [sflag:$0x2] =	stream.indirect_vreg.gather [hbm4b:s3+s2], $0x80, v4, vm0, $0xb8;
	[tilespmem:$0x18100] =	vst v63  }
0xc0: {  	v3 =	vadd.s32 v1, v3  }
0xc1: {  	[tilespmem:s25], [sflag:$0x2] =	stream.indirect_vreg.gather [hbm4b:s4+s2], $0x80, v4, vm0, $0xb8;
	[tilespmem:$0x18100] =	vst v63  }
0xc2: {  	_ = 	snop  }
0xc3: {  	[tilespmem:s26], [sflag:$0x2] =	stream.indirect_vreg.gather [hbm4b:s5+s2], $0x80, v4, vm0, $0xb8;
	[tilespmem:$0x18100] =	vst v63  }
0xc4: {  	_ = 	snop  }
0xc5: {  	[tilespmem:s28], [sflag:$0x2] =	stream.indirect_vreg.gather [hbm4b:s3+s2], $0x80, v3, vm0, $0xb8;
	[tilespmem:$0x18100] =	vst v63  }
0xc6: {  	_ = 	snop  }
0xc7: {  	[tilespmem:s29], [sflag:$0x2] =	stream.indirect_vreg.gather [hbm4b:s4+s2], $0x80, v3, vm0, $0xb8;
	[tilespmem:$0x18100] =	vst v63  }
0xc8: {  	_ = 	snop  }
0xc9: {  	[tilespmem:s30], [sflag:$0x2] =	stream.indirect_vreg.gather [hbm4b:s5+s2], $0x80, v3, vm0, $0xb8;
	[tilespmem:$0x18100] =	vst v63  }
0xca: {  	_ =	swait.ge [sflag:s31], $0xC000  }
0xcb: {  	[sflag:s31] =	ssyncset.done $0x0  }
0xcc: {  	[sflag:s31] =	ssyncadd.s32 $0xFFFF4000  }
0xcd: {  	_ =	swait.ge [sflag:s1], $0xC000  }
0xce: {  	[sflag:s1] =	ssyncset.done $0x0  }
0xcf: {  	s10 =	rddreg [dreg:$0x4];
	[sflag:s1] =	ssyncadd.s32 $0xFFFF4000  }
0xd0: {  	[hbm4b:s10+s2] =	stream.linear.scatter [tilespmem:s8], [sflag:$0x3], $0xC000, $0x38;
	[tilespmem:$0x18100] =	vst v63  }
0xd1: {  	_ =	swait.ge [sflag:s7], $0xC000  }
0xd2: {  	p0 =	sne.s32 s6, $0x1;
	[sflag:s7] =	ssyncset.done $0x0  }
.Ltmp0:
0xd3: {  	s10 =	rddreg [dreg:$0x5];
	[sflag:s7] =	ssyncadd.s32 $0xFFFF4000;
	(pc) =	sbr.rel @p0 .LBB2_1-.Ltmp0, $4  }
0xd4: {  	[hbm4b:s10+s2] =	stream.linear.scatter [tilespmem:s9], [sflag:$0x3], $0xC000, $0x38;
	[tilespmem:$0x18100] =	vst v63  }
0xd5: {  	_ =	swait.ge [sflag:s7], $0xC000  }
0xd6: {  	[sflag:s7] =	ssyncset.done $0x0  }
0xd7: {  	s6 =	sadd.s32 $0xFFFFFFFF, s6;
	[sflag:s7] =	ssyncadd.s32 $0xFFFF4000  }
0xd8: {  	_ =	sfence.sel $0x180000  }
0xd9: {  	[bflag:$0x0] =	sbarrier.arrive $0xFFFF  }
0xda: {  	_ =	strace $0x9000004D  }
0xdb: {  	s0 =	stileid.u32;
	[bflag:$0x2] =	sbarrier.arrive $0xFFFF  }
0xdc: {  	p0 =	sne.s32 s0, $0x0;
	s0 =	rddreg [dreg:$0x1]  }
0xdd: {  	s0 =	sadd.s32 @!p0 $0x100000, s0  }
0xde: {  	[sflag:s0] =	ssyncadd.tile.s32 @!p0 $0x1;
	_ =	shalt  }
.Lfunc_end2:
_tile_overlayer_lowered:
.L_overlay_start_2:
0xdf: {  	(tag) =	ssettag $0x2  }
0xe0: {  	s0 =	rddreg [dreg:$0x0];
	s2 =	stileid.u32  }
0xe1: {  	s1 =	rddreg [dreg:$0x1];
	p0 =	sne.s32 s2, $0x0  }
0xe2: {  	s3 =	rddreg [dreg:$0x2];
	[bflag:$0x3] =	sbarrier.arrive $0xFFFF;
	s2 =	simm.s32 @!p0 $0x1C03  }
0xe3: {  	[timem:s3], [sflag:s2] =	dma.local @!p0 [hbm:s0], s1  }
0xe4: {  	s0 =	simm.s32 @!p0 $0x3  }
0xe5: {  	_ =	swait.ge @!p0 [sflag:s0], s1  }
0xe6: {  	s1 =	ssub.s32 @!p0 $0x0, s1;
	[sflag:s0] =	ssyncset.done @!p0 $0x0  }
0xe7: {  	[sflag:s0] =	ssyncadd.s32 @!p0 s1  }
0xe8: {  	[bflag:$0x3] =	sbarrier.arrive $0xFFFF  }
0xe9: {  	_ =	shalt  }

// kernel: kernel.8.cloned.1.call-start
scs
__scs_entry_jumppad:
0x0: {  	(pc) =	sbr.rel $0x88, $3  }
0x1: {  	(tag) =	ssettag $0x0;
	lr =	simm.s32 $0x1  }
0x2: {  	[smem:$0x3F8F] =	sst lr;
	_ =	strace $0xD0000000  }
0x3: {  	_ = 	snop  }
0x4: {  	_ = 	snop  }
0x5: {  	_ = 	snop  }
0x6: {  	_ = 	snop  }
0x7: {  	_ = 	snop  }
__scs_overlays_trampoline_lowered:
0x8: {  	[smem:$0x3F9E] =	sst s0  }
0x9: {  	[smem:$0x3F9F] =	sst s1  }
0xa: {  	[smem:$0x3FA0] =	sst s2  }
0xb: {  	[smem:$0x3FA1] =	sst s3  }
0xc: {  	[smem:$0x3FA2] =	sst s4  }
0xd: {  	[smem:$0x3FA3] =	sst s5  }
0xe: {  	[smem:$0x3FA4] =	sst s6  }
0xf: {  	[smem:$0x3FA5] =	sst s7  }
0x10: {  	[smem:$0x3FA6] =	sst s8  }
0x11: {  	[smem:$0x3FA7] =	sst s9;
	s0 =	simm.s32 @!p0 $0x0  }
0x12: {  	s1 =	sld [smem:$0x3F8D];
	s0 =	simm.s32 @p0 $0x1  }
0x13: {  	[smem:$0x3FA8] =	sst s0;
	s0 =	simm.s32 @!p1 $0x0  }
0x14: {  	s2 =	sld [smem:$0x3F8C];
	s0 =	simm.s32 @p1 $0x1  }
0x15: {  	[smem:$0x3FA9] =	sst s0;
	s0 =	simm.s32 @!p2 $0x0  }
0x16: {  	s3 =	sld [smem:$0x3FDB];
	s0 =	simm.s32 @p2 $0x1  }
0x17: {  	s4 =	simm.s32 $0x1BF5;
	[smem:$0x3FAB] =	sst s0  }
0x18: {  	s0 =	sld [smem:$0x3F8E];
	_ =	swait.ge [sflag:s4], $0x0  }
0x19: {  	s7 =	sld [smem:$0x3F8F]  }
0x1a: {  	s8 =	sadd.s32 $0xFFFFE003, lr  }
0x1b: {  	s9 =	sadd.s32 $0xFFFFFEF7, lr;
	s5 =	simm.s32 $0xFFFFFFFF;
	p2 =	slt.u32 s8, $0xFFFFF086  }
0x1c: {  	p1 =	slt.u32 s9, $0xF7A;
	s5 =	simm.s32 @!p2 $0x0  }
0x1d: {  	s5 =	simm.s32 @p1 $0x1;
	p0 =	seq.s32 s7, s2  }
0x1e: {  	s7 =	smul.u32 @!p0 $0xF7A, s2;
	p2 =	seq.s32 @!p0 s5, $0x0  }
0x1f: {  	s9 =	smul.u32 $0xF7A, s1;
	s8 =	simm.s32 @!p0 $0x1BF5;
	p2 =	por !p2, p0  }
0x20: {  	[sflag:s8] =	ssyncset.s32 @!p0 $0xFFFFF086;
	s6 =	sadd.s32 @!p0 s3, s7;
	s7 =	simm.s32 @!p0 $0x108  }
0x21: {  	s3 =	sadd.s32 s3, s9;
	s6 =	sadd.s32 @!p0 $0x88, s6;
	s7 =	simm.s32 @p2 $0x1082  }
0x22: {  	[simem:s7], [sflag:s8] =	dma.local @!p0 [hbm:s6], $0xF7A  }
0x23: {  	s9 =	sor.u32 $0xD0000000, s2;
	s6 =	simm.s32 $0x108;
	_ =	swait.ge @!p0 [sflag:s8], $0x0  }
0x24: {  	s3 =	sadd.s32 $0x88, s3;
	s6 =	simm.s32 @!p1 $0x1082;
	[sflag:s4] =	ssyncset.s32 $0xFFFFF086  }
0x25: {  	[simem:s6], [sflag:s4] =	dma.local [hbm:s3], $0xF7A  }
0x26: {  	[smem:$0x3F8F] =	sst s1;
	(tag) =	ssettag s2;
	_ =	strace s9  }
0x27: {  	s1 =	sld [smem:$0x3F9F]  }
0x28: {  	s2 =	sld [smem:$0x3FA0]  }
0x29: {  	s4 =	sld [smem:$0x3FA2]  }
0x2a: {  	p0 =	seq.s32 s5, $0x0;
	s5 =	sld [smem:$0x3FA3]  }
0x2b: {  	s6 =	sld [smem:$0x3FA4]  }
0x2c: {  	s7 =	sld [smem:$0x3FA5]  }
0x2d: {  	s3 =	simm.s32 $0x108;
	s8 =	sld [smem:$0x3FA6]  }
0x2e: {  	s3 =	simm.s32 @!p0 $0x1082;
	s9 =	sld [smem:$0x3FA7]  }
0x2f: {  	lr =	sadd.s32 s0, s3;
	s0 =	sld [smem:$0x3F9E]  }
0x30: {  	s3 =	sld [smem:$0x3FA1]  }
0x31: {  	[smem:$0x3FAA] =	sst s10  }
0x32: {  	s10 =	sld [smem:$0x3FA8];
	_ =	sdelay $0x3  }
0x33: {  	p0 =	seq.s32 s10, $0x1;
	s10 =	sld [smem:$0x3FAA];
	_ =	sdelay $0x3  }
0x34: {  	[smem:$0x3FAA] =	sst s10  }
0x35: {  	s10 =	sld [smem:$0x3FA9];
	_ =	sdelay $0x3  }
0x36: {  	p1 =	seq.s32 s10, $0x1;
	s10 =	sld [smem:$0x3FAA];
	_ =	sdelay $0x3  }
0x37: {  	[smem:$0x3FAA] =	sst s10  }
0x38: {  	s10 =	sld [smem:$0x3FAB]  }
0x39: {  	_ = 	snop;
	(pc) =	sbr.ind lr, $3  }
0x3a: {  	_ = 	snop  }
0x3b: {  	_ = 	snop  }
0x3c: {  	p2 =	seq.s32 s10, $0x1;
	s10 =	sld [smem:$0x3FAA]  }
0x3d: {  	_ =	shalt  }
0x3e: {  	_ =	shalt  }
0x3f: {  	_ =	shalt  }
0x40: {  	_ =	shalt  }
0x41: {  	_ =	shalt  }
0x42: {  	_ =	shalt  }
0x43: {  	_ =	shalt  }
0x44: {  	_ =	shalt  }
0x45: {  	_ =	shalt  }
0x46: {  	_ =	shalt  }
0x47: {  	_ =	shalt  }
0x48: {  	_ =	shalt  }
0x49: {  	_ =	shalt  }
0x4a: {  	_ =	shalt  }
0x4b: {  	_ =	shalt  }
0x4c: {  	_ =	shalt  }
0x4d: {  	_ =	shalt  }
0x4e: {  	_ =	shalt  }
0x4f: {  	_ =	shalt  }
0x50: {  	_ =	shalt  }
0x51: {  	_ =	shalt  }
0x52: {  	_ =	shalt  }
0x53: {  	_ =	shalt  }
0x54: {  	_ =	shalt  }
0x55: {  	_ =	shalt  }
0x56: {  	_ =	shalt  }
0x57: {  	_ =	shalt  }
0x58: {  	_ =	shalt  }
0x59: {  	_ =	shalt  }
0x5a: {  	_ =	shalt  }
0x5b: {  	_ =	shalt  }
0x5c: {  	_ =	shalt  }
0x5d: {  	_ =	shalt  }
0x5e: {  	_ =	shalt  }
0x5f: {  	_ =	shalt  }
0x60: {  	_ =	shalt  }
0x61: {  	_ =	shalt  }
0x62: {  	_ =	shalt  }
0x63: {  	_ =	shalt  }
0x64: {  	_ =	shalt  }
0x65: {  	_ =	shalt  }
0x66: {  	_ =	shalt  }
0x67: {  	_ =	shalt  }
0x68: {  	_ =	shalt  }
0x69: {  	_ =	shalt  }
0x6a: {  	_ =	shalt  }
0x6b: {  	_ =	shalt  }
0x6c: {  	_ =	shalt  }
0x6d: {  	_ =	shalt  }
0x6e: {  	_ =	shalt  }
0x6f: {  	_ =	shalt  }
0x70: {  	_ =	shalt  }
0x71: {  	_ =	shalt  }
0x72: {  	_ =	shalt  }
0x73: {  	_ =	shalt  }
0x74: {  	_ =	shalt  }
0x75: {  	_ =	shalt  }
0x76: {  	_ =	shalt  }
0x77: {  	_ =	shalt  }
0x78: {  	_ =	shalt  }
0x79: {  	_ =	shalt  }
0x7a: {  	_ =	shalt  }
0x7b: {  	_ =	shalt  }
0x7c: {  	_ =	shalt  }
0x7d: {  	_ =	shalt  }
0x7e: {  	_ =	shalt  }
0x7f: {  	_ =	shalt  }
0x80: {  	_ =	shalt  }
0x81: {  	_ =	shalt  }
0x82: {  	_ =	shalt  }
0x83: {  	_ =	shalt  }
0x84: {  	_ =	shalt  }
0x85: {  	_ =	shalt  }
0x86: {  	_ =	shalt  }
0x87: {  	_ =	shalt  }
.Lfunc_end0:
.L_simem_size_0:
called_computation_lowered:
.L_overlay_start_0:
0x88: {  	s2 =	sld [smem:$0x3FD9]  }
0x89: {  	s3 =	sld [smem:$0x3FFE];
	_ =	sdelay $0x1  }
0x8a: {  	s1 =	srdreg.scid  }
0x8b: {  	s0 =	sand.u32 $0x1, s1  }
0x8c: {  	s17 =	sshll.u32 s0, $0xA;
	s2 =	sadd.s32 s3, s2  }
0x8d: {  	s2 =	sadd.s32 s2, s17  }
0x8e: {  	[smem:$0x3FB6] =	sst s2  }
0x8f: {  	_ = 	snop  }
0x90: {  	s2 =	sld [smem:$0x3FC9]  }
0x91: {  	s18 =	sld [smem:$0x3FC8];
	(tm) =	ssettm $0x1  }
0x92: {  	s4 =	sld [smem:$0x3FFB];
	_ =	sdelay $0x3  }
0x93: {  	_ =	strace s4  }
0x94: {  	s4 =	sld [smem:$0x3FFC];
	_ =	sdelay $0x3  }
0x95: {  	_ =	strace s4  }
0x96: {  	s4 =	sld [smem:$0x3FFD];
	_ =	sdelay $0x3  }
0x97: {  	_ =	strace s4  }
0x98: {  	_ =	strace $0x8FFFFFFF  }
0x99: {  	s19 =	sld [smem:$0x3FDB];
	_ =	sdelay $0x1  }
0x9a: {  	s5 =	simm.s32 $_scs_section_size  }
0x9b: {  	s6 =	simm.s32 $_size__tile_overlayer_lowered;
	s7 =	simm.s32 $_tile_overlayer_lowered  }
0x9c: {  	s22 =	simm.s32 $0x1BFF;
	s21 =	sshll.u32 s7, $0x1;
	s4 =	sadd.s32 s5, s19  }
0x9d: {  	s8 =	simm.s32 $0x0;
	s20 =	sshll.u32 s6, $0x1;
	s6 =	sadd.s32 s21, s4  }
0x9e: {  	[timem:s8], [sflag:s22] =	dma.local [hbm:s6], s20  }
0x9f: {  	_ =	swait.ge [sflag:s22], s20  }
0xa0: {  	s5 =	ssub.s32 $0x0, s20;
	[sflag:s22] =	ssyncset.done $0x0  }
0xa1: {  	[sflag:s22] =	ssyncadd.s32 s5;
	_ =	sdelay $0x1  }
0xa2: {  	s23 =	simm.s32 $0x1B8B  }
0xa3: {  	_ =	swait.ge [sflag:s23], $0x1  }
0xa4: {  	[sflag:s23] =	ssyncset.done $0x0  }
0xa5: {  	s25 =	simm.s32 $0x1B8E;
	s24 =	sld [smem:$0x3FFE];
	[sflag:s23] =	ssyncadd.s32 $0xFFFFFFFF  }
0xa6: {  	s26 =	simm.s32 $execute0_lowered;
	[smem:$0x3FD2] =	sst s25  }
0xa7: {  	s6 =	sshll.u32 s26, $0x1;
	_ =	strace $0x80000046;
	[dreg:$0x1] =	wrdreg $0xFFFFFFFF  }
0xa8: {  	s28 =	simm.s32 $_size_execute0_lowered;
	s4 =	sadd.s32 s4, s6;
	[dreg:$0x0] =	wrdreg $0x0  }
0xa9: {  	s6 =	sshll.u32 s28, $0x1;
	[dreg:$0x2] =	wrdreg s4  }
0xaa: {  	[dreg:$0x3] =	wrdreg s6  }
0xab: {  	[dreg:$0x4] =	wrdreg $0xC0  }
0xac: {  	_ =	task [dreg:s8], $0x5FFFF  }
0xad: {  	[dreg:$0x1] =	wrdreg $0xFFFFFFFF  }
0xae: {  	[dreg:$0x0] =	wrdreg $0x60  }
0xaf: {  	[dreg:$0x2] =	wrdreg s18  }
0xb0: {  	[dreg:$0x3] =	wrdreg s2  }
0xb1: {  	[dreg:$0x4] =	wrdreg s24  }
0xb2: {  	[dreg:$0x5] =	wrdreg $0x9  }
0xb3: {  	_ =	task.clear_ibuf [dreg:s8], $0x6FFFF;
	_ =	strace $0x90000046  }
0xb4: {  	s29 =	simm.s32 $0x9;
	_ =	strace $0x80000048  }
0xb5: {  	_ =	swait.ge [sflag:s29], $0x1  }
0xb6: {  	[sflag:s29] =	ssyncadd.s32 $0xFFFFFFFF  }
0xb7: {  	_ =	strace $0x90000048  }
0xb8: {  	_ =	sfence  }
0xb9: {  	s30 =	sld [smem:$0x0];
	_ =	sdelay $0x2  }
0xba: {  	s31 =	sshll.u32 s1, $0xD;
	s1 =	sshrl.u32 s1, $0x2  }
0xbb: {  	s3 =	sand.u32 $0x4000, s31;
	s1 =	sadd.s32 s1, s30  }
0xbc: {  	s0 =	sor.u32 s3, s0;
	s1 =	sshll.u32 s1, $0x11  }
0xbd: {  	s0 =	sor.u32 s1, s0  }
0xbe: {  	s0 =	sadd.s32 $0x8F2B, s0  }
0xbf: {  	[sflag:s0] =	ssyncadd.remote.s32 $0x1  }
0xc0: {  	_ =	sfence.sel $0xFFFF  }
0xc1: {  	[dreg:$0x0] =	wrdreg $0xFFFFFFFF;
	(pc) =	sbr.abs _section_cstart, $3  }
0xc2: {  	[dreg:$0x1] =	wrdreg $0xFFFFFFFF  }
0xc3: {  	_ =	task.clear_ibuf [dreg:s8], $0x2FFFF;
	_ =	strace $0x9FFFFFFF  }
0xc4: {  	(tm) =	ssettm $0x7FFFFFFF  }
0xc5: {  	_ =	shalt  }
tec
execute0_lowered:
.L_overlay_start_1:
0x0: {  	(tag) =	ssettag $0x1  }
0x1: {  	s1 =	rddreg [dreg:$0x0]  }
0x2: {  	s2 =	srdreg.scid;
	s4 =	rddreg [dreg:$0x1]  }
0x3: {  	s0 =	stileid.u32;
	s5 =	rddreg [dreg:$0x2];
	s3 =	simm.s32 $0x0  }
0x4: {  	s26 =	simm.s32 $0x880;
	s9 =	simm.s32 $0x1080;
	s10 =	simm.s32 $0x1880  }
0x5: {  	s11 =	simm.s32 $0x2080;
	s12 =	simm.s32 $0x2880;
	s13 =	simm.s32 $0x3080  }
0x6: {  	s14 =	simm.s32 $0x3880;
	s15 =	simm.s32 $0x4080;
	s16 =	simm.s32 $0x4880  }
0x7: {  	s17 =	simm.s32 $0x5080;
	s18 =	simm.s32 $0x5880;
	s19 =	simm.s32 $0x6080  }
0x8: {  	s20 =	simm.s32 $0x6880;
	s21 =	simm.s32 $0x7080;
	s22 =	simm.s32 $0x7880  }
0x9: {  	s23 =	simm.s32 $0x8080;
	s24 =	simm.s32 $0x8880;
	s28 =	simm.s32 $0xA080  }
0xa: {  	s29 =	simm.s32 $0xA880;
	s30 =	simm.s32 $0xB080;
	s31 =	simm.s32 $0xB880  }
0xb: {  	s2 =	sand.u32 $0x1, s2;
	s6 =	sshll.u32 s0, $0x4;
	[smem:$0x7FF] =	sst s3  }
0xc: {  	s7 =	sshll.u32 s2, $0x3;
	s2 =	ssub.s32 $0x2, s2;
	_ =	strace $0x80000047  }
0xd: {  	[dreg:$0x6] =	wrdreg s26;
	s26 =	simm.s32 $0x9880;
	s6 =	sor.u32 s7, s6  }
0xe: {  	s8 =	sshrl.u32 s2, $0x1;
	s7 =	smul.u32 $0x300, s6;
	s4 =	sadd.s32 s4, s6  }
0xf: {  	s2 =	ssub.s32 s2, s8;
	s8 =	simm.s32 $0x80;
	[dreg:$0x4] =	wrdreg s4  }
0x10: {  	v2 =	vlaneseq.u32;
	s4 =	sadd.s32 $0x100, s1;
	s6 =	smax.u32 s2, $0x1;
	s5 =	sadd.s32 s7, s5  }
0x11: {  	vm0 =	vmmov $0xffff;
	v1 =	vshrl.u32 v2, $0x3;
	s2 =	simm.s32 $0x1;
	s7 =	simm.s32 $0x2;
	s25 =	sadd.s32 $0x4600, s5  }
0x12: {  	v0 =	vand.u32 $0x7, v2;
	v2 =	vor.u32 $0x8, v2;
	v1 =	vmul.u32 $0x8, v1;
	s5 =	sadd.s32 $0x200, s1;
	[dreg:$0x5] =	wrdreg s25;
	s25 =	simm.s32 $0x9080  }
.LBB2_1:
0x13: {  	s0 =	rddreg [dreg:$0x4]  }
0x14: {  	[tilespmem:s3], [sflag:$0x2] =	stream.linear.gather [hbm4b:s0+s3], $0x40, $0x38;
	[tilespmem:$0xC080] =	vst v63  }
0x15: {  	_ =	swait.ge [sflag:s7], $0x40  }
0x16: {  	[sflag:s7] =	ssyncset.done $0x0  }
0x17: {  	[sflag:s7] =	ssyncadd.s32 $0xFFFFFFC0  }
0x18: {  	v3 =	vld [tilespmem:$0x0];
	_ =	sdelay $0x4  }
0x19: {  	v4 =	vshrl.u32 v3, $0x3  }
0x1a: {  	v4 =	vmul.u32 $0x30, v4  }
0x1b: {  	v3 =	vand.u32 $0x7, v3  }
0x1c: {  	v3 =	vor.u32 v3, v4  }
0x1d: {  	v4 =	vperm.xlane v3, v0;
	_ =	sdelay $0x1  }
0x1e: {  	v4 =	vadd.s32 v1, v4;
	_ =	sdelay $0x3  }
0x1f: {  	v3 =	vperm.xlane v3, v2  }
0x20: {  	[tilespmem:s8], [sflag:$0x1] =	stream.indirect_vreg.gather [hbm4b:s1+s3], $0x80, v4, vm0, $0xb8;
	[tilespmem:$0xC080] =	vst v63  }
0x21: {  	s0 =	rddreg [dreg:$0x6];
	v3 =	vadd.s32 v1, v3  }
0x22: {  	[tilespmem:s0], [sflag:$0x1] =	stream.indirect_vreg.gather [hbm4b:s4+s3], $0x80, v4, vm0, $0xb8;
	[tilespmem:$0xC080] =	vst v63  }
0x23: {  	_ = 	snop  }
0x24: {  	[tilespmem:s9], [sflag:$0x1] =	stream.indirect_vreg.gather [hbm4b:s5+s3], $0x80, v4, vm0, $0xb8;
	[tilespmem:$0xC080] =	vst v63  }
0x25: {  	_ = 	snop  }
0x26: {  	[tilespmem:s10], [sflag:$0x1] =	stream.indirect_vreg.gather [hbm4b:s1+s3], $0x80, v3, vm0, $0xb8;
	[tilespmem:$0xC080] =	vst v63  }
0x27: {  	_ = 	snop  }
0x28: {  	[tilespmem:s11], [sflag:$0x1] =	stream.indirect_vreg.gather [hbm4b:s4+s3], $0x80, v3, vm0, $0xb8;
	[tilespmem:$0xC080] =	vst v63  }
0x29: {  	_ = 	snop  }
0x2a: {  	[tilespmem:s12], [sflag:$0x1] =	stream.indirect_vreg.gather [hbm4b:s5+s3], $0x80, v3, vm0, $0xb8;
	[tilespmem:$0xC080] =	vst v63  }
0x2b: {  	v3 =	vld [tilespmem:$0x10];
	_ =	sdelay $0x4  }
0x2c: {  	v61 =	vshrl.u32 v3, $0x3  }
0x2d: {  	v4 =	vmul.u32 $0x30, v61  }
0x2e: {  	v3 =	vand.u32 $0x7, v3  }
0x2f: {  	v3 =	vor.u32 v3, v4  }
0x30: {  	v4 =	vperm.xlane v3, v0;
	_ =	sdelay $0x1  }
0x31: {  	v4 =	vadd.s32 v1, v4;
	_ =	sdelay $0x3  }
0x32: {  	v3 =	vperm.xlane v3, v2  }
0x33: {  	[tilespmem:s13], [sflag:$0x1] =	stream.indirect_vreg.gather [hbm4b:s1+s3], $0x80, v4, vm0, $0xb8;
	[tilespmem:$0xC080] =	vst v63  }
0x34: {  	v3 =	vadd.s32 v1, v3  }
0x35: {  	[tilespmem:s14], [sflag:$0x1] =	stream.indirect_vreg.gather [hbm4b:s4+s3], $0x80, v4, vm0, $0xb8;
	[tilespmem:$0xC080] =	vst v63  }
0x36: {  	_ = 	snop  }
0x37: {  	[tilespmem:s15], [sflag:$0x1] =	stream.indirect_vreg.gather [hbm4b:s5+s3], $0x80, v4, vm0, $0xb8;
	[tilespmem:$0xC080] =	vst v63  }
0x38: {  	_ = 	snop  }
0x39: {  	[tilespmem:s16], [sflag:$0x1] =	stream.indirect_vreg.gather [hbm4b:s1+s3], $0x80, v3, vm0, $0xb8;
	[tilespmem:$0xC080] =	vst v63  }
0x3a: {  	_ = 	snop  }
0x3b: {  	[tilespmem:s17], [sflag:$0x1] =	stream.indirect_vreg.gather [hbm4b:s4+s3], $0x80, v3, vm0, $0xb8;
	[tilespmem:$0xC080] =	vst v63  }
0x3c: {  	_ = 	snop  }
0x3d: {  	[tilespmem:s18], [sflag:$0x1] =	stream.indirect_vreg.gather [hbm4b:s5+s3], $0x80, v3, vm0, $0xb8;
	[tilespmem:$0xC080] =	vst v63  }
0x3e: {  	v3 =	vld [tilespmem:$0x20];
	_ =	sdelay $0x4  }
0x3f: {  	v62 =	vshrl.u32 v3, $0x3  }
0x40: {  	v4 =	vmul.u32 $0x30, v62  }
0x41: {  	v3 =	vand.u32 $0x7, v3  }
0x42: {  	v3 =	vor.u32 v3, v4  }
0x43: {  	v4 =	vperm.xlane v3, v0;
	_ =	sdelay $0x1  }
0x44: {  	v4 =	vadd.s32 v1, v4;
	_ =	sdelay $0x3  }
0x45: {  	v3 =	vperm.xlane v3, v2  }
0x46: {  	[tilespmem:s19], [sflag:$0x1] =	stream.indirect_vreg.gather [hbm4b:s1+s3], $0x80, v4, vm0, $0xb8;
	[tilespmem:$0xC080] =	vst v63  }
0x47: {  	v3 =	vadd.s32 v1, v3  }
0x48: {  	[tilespmem:s20], [sflag:$0x1] =	stream.indirect_vreg.gather [hbm4b:s4+s3], $0x80, v4, vm0, $0xb8;
	[tilespmem:$0xC080] =	vst v63  }
0x49: {  	_ = 	snop  }
0x4a: {  	[tilespmem:s21], [sflag:$0x1] =	stream.indirect_vreg.gather [hbm4b:s5+s3], $0x80, v4, vm0, $0xb8;
	[tilespmem:$0xC080] =	vst v63  }
0x4b: {  	_ = 	snop  }
0x4c: {  	[tilespmem:s22], [sflag:$0x1] =	stream.indirect_vreg.gather [hbm4b:s1+s3], $0x80, v3, vm0, $0xb8;
	[tilespmem:$0xC080] =	vst v63  }
0x4d: {  	_ = 	snop  }
0x4e: {  	[tilespmem:s23], [sflag:$0x1] =	stream.indirect_vreg.gather [hbm4b:s4+s3], $0x80, v3, vm0, $0xb8;
	[tilespmem:$0xC080] =	vst v63  }
0x4f: {  	_ = 	snop  }
0x50: {  	[tilespmem:s24], [sflag:$0x1] =	stream.indirect_vreg.gather [hbm4b:s5+s3], $0x80, v3, vm0, $0xb8;
	[tilespmem:$0xC080] =	vst v63  }
0x51: {  	v3 =	vld [tilespmem:$0x30];
	_ =	sdelay $0x4  }
0x52: {  	v63 =	vshrl.u32 v3, $0x3  }
0x53: {  	v4 =	vmul.u32 $0x30, v63  }
0x54: {  	v3 =	vand.u32 $0x7, v3  }
0x55: {  	v3 =	vor.u32 v3, v4  }
0x56: {  	v4 =	vperm.xlane v3, v0;
	_ =	sdelay $0x1  }
0x57: {  	v4 =	vadd.s32 v1, v4;
	_ =	sdelay $0x3  }
0x58: {  	v3 =	vperm.xlane v3, v2  }
0x59: {  	[tilespmem:s25], [sflag:$0x1] =	stream.indirect_vreg.gather [hbm4b:s1+s3], $0x80, v4, vm0, $0xb8;
	[tilespmem:$0xC080] =	vst v63  }
0x5a: {  	v3 =	vadd.s32 v1, v3  }
0x5b: {  	[tilespmem:s26], [sflag:$0x1] =	stream.indirect_vreg.gather [hbm4b:s4+s3], $0x80, v4, vm0, $0xb8;
	[tilespmem:$0xC080] =	vst v63  }
0x5c: {  	_ = 	snop  }
0x5d: {  	[tilespmem:s28], [sflag:$0x1] =	stream.indirect_vreg.gather [hbm4b:s5+s3], $0x80, v4, vm0, $0xb8;
	[tilespmem:$0xC080] =	vst v63  }
0x5e: {  	_ = 	snop  }
0x5f: {  	[tilespmem:s29], [sflag:$0x1] =	stream.indirect_vreg.gather [hbm4b:s1+s3], $0x80, v3, vm0, $0xb8;
	[tilespmem:$0xC080] =	vst v63  }
0x60: {  	_ = 	snop  }
0x61: {  	[tilespmem:s30], [sflag:$0x1] =	stream.indirect_vreg.gather [hbm4b:s4+s3], $0x80, v3, vm0, $0xb8;
	[tilespmem:$0xC080] =	vst v63  }
0x62: {  	_ = 	snop  }
0x63: {  	[tilespmem:s31], [sflag:$0x1] =	stream.indirect_vreg.gather [hbm4b:s5+s3], $0x80, v3, vm0, $0xb8;
	[tilespmem:$0xC080] =	vst v63  }
0x64: {  	_ =	swait.ge [sflag:s2], $0xC000  }
0x65: {  	p0 =	sne.s32 s6, $0x1;
	[sflag:s2] =	ssyncset.done $0x0  }
.Ltmp0:
0x66: {  	s0 =	rddreg [dreg:$0x5];
	[sflag:s2] =	ssyncadd.s32 $0xFFFF4000;
	(pc) =	sbr.rel @p0 .LBB2_1-.Ltmp0, $4  }
0x67: {  	[hbm4b:s0+s3] =	stream.linear.scatter [tilespmem:s8], [sflag:$0x2], $0xC000, $0x38;
	[tilespmem:$0xC080] =	vst v63  }
0x68: {  	_ =	swait.ge [sflag:s7], $0xC000  }
0x69: {  	[sflag:s7] =	ssyncset.done $0x0  }
0x6a: {  	s6 =	sadd.s32 $0xFFFFFFFF, s6;
	[sflag:s7] =	ssyncadd.s32 $0xFFFF4000  }
0x6b: {  	_ =	sfence.sel $0x180000  }
0x6c: {  	[bflag:$0x0] =	sbarrier.arrive $0xFFFF  }
0x6d: {  	_ =	strace $0x90000047  }
0x6e: {  	s0 =	stileid.u32;
	[bflag:$0x2] =	sbarrier.arrive $0xFFFF  }
0x6f: {  	p0 =	sne.s32 s0, $0x0;
	s0 =	rddreg [dreg:$0x3]  }
0x70: {  	s0 =	sadd.s32 @!p0 $0x100000, s0  }
0x71: {  	[sflag:s0] =	ssyncadd.tile.s32 @!p0 $0x1;
	_ =	shalt  }
.Lfunc_end2:
_tile_overlayer_lowered:
.L_overlay_start_2:
0x72: {  	(tag) =	ssettag $0x2  }
0x73: {  	s0 =	rddreg [dreg:$0x0];
	s2 =	stileid.u32  }
0x74: {  	s1 =	rddreg [dreg:$0x1];
	p0 =	sne.s32 s2, $0x0  }
0x75: {  	s3 =	rddreg [dreg:$0x2];
	[bflag:$0x3] =	sbarrier.arrive $0xFFFF;
	s2 =	simm.s32 @!p0 $0x1C02  }
0x76: {  	[timem:s3], [sflag:s2] =	dma.local @!p0 [hbm:s0], s1  }
0x77: {  	s0 =	simm.s32 @!p0 $0x2  }
0x78: {  	_ =	swait.ge @!p0 [sflag:s0], s1  }
0x79: {  	s1 =	ssub.s32 @!p0 $0x0, s1;
	[sflag:s0] =	ssyncset.done @!p0 $0x0  }
0x7a: {  	[sflag:s0] =	ssyncadd.s32 @!p0 s1  }
0x7b: {  	[bflag:$0x3] =	sbarrier.arrive $0xFFFF  }
0x7c: {  	_ =	shalt  }

</sc_bundles>
